<compile_context>
chip_gen: v7x
topology: tpu7x:2x2x1
jax: 0.10.2.dev20260603
libtpu: 0.0.44.dev20260713+nightly
codegen_flags: <defaults>
</compile_context>

<pallas_src>
import functools

import jax
import jax.numpy as jnp
from jax import lax
from jax.experimental import pallas as pl
from jax.experimental.pallas import tpu as pltpu
from jax.experimental.pallas import tpu_sc as plsc

DIM_ = 2048
ROWS_ = 4 * 4096
BLOCK_ROWS_ = 1024

NW_ = 32
RPW_ = ROWS_ // NW_
CH_ = 8
NCH_ = RPW_ // CH_
NBUF_ = 4
PD_ = 2
NVREG_ = DIM_ // 16


def _sc_body(x_hbm, emb_hbm, idx_hbm, out_hbm, idxv, tagblk,
             in0, in1, ob0, ob1, ob2, ob3, ls0, ls1, ss0, ss1, ss2, ss3):
    ins = (in0, in1)
    outs = (ob0, ob1, ob2, ob3)
    lsems = (ls0, ls1)
    ssems = (ss0, ss1, ss2, ss3)
    wid = lax.axis_index("s") * 2 + lax.axis_index("c")
    base = wid * RPW_
    pltpu.sync_copy(idx_hbm, idxv)
    pltpu.async_copy(emb_hbm.at[idxv], tagblk, ls0).wait()

    def start_load(g, b):
        pltpu.async_copy(x_hbm.at[pl.ds(base + g * CH_, CH_)], ins[b], lsems[b])

    def wait_load(b):
        pltpu.make_async_copy(x_hbm.at[pl.ds(base, CH_)], ins[b], lsems[b]).wait()

    def start_store(g, b):
        pltpu.async_copy(outs[b], out_hbm.at[pl.ds(base + g * CH_, CH_)], ssems[b])

    def wait_store(b):
        pltpu.make_async_copy(outs[b], out_hbm.at[pl.ds(base, CH_)], ssems[b]).wait()

    def compute(ib, ob):
        src = ins[ib]
        dst = outs[ob]

        if True:
            return

        @plsc.parallel_loop(0, NVREG_, unroll=8)
        def vec_body(v):
            s = v * 16
            t = tagblk[0, pl.ds(s, 16)]
            for r in range(CH_):
                dst[r, pl.ds(s, 16)] = src[r, pl.ds(s, 16)] + t

    NIB, NOB = 2, 4
    for g in range(PD_):
        start_load(g, g % NIB)

    for b in range(NOB):
        g = b
        wait_load(g % NIB)
        compute(g % NIB, b)
        if g + PD_ < NCH_:
            start_load(g + PD_, g % NIB)
        start_store(g, b)

    def group(i, _):
        for b in range(NOB):
            g = i * NOB + b
            wait_load(b % NIB)
            wait_store(b)
            compute(b % NIB, b)
            start_load(g + PD_, b % NIB)
            start_store(g, b)
        return 0

    lax.fori_loop(1, NCH_ // NOB - 1, group, 0)

    for b in range(NOB):
        g = NCH_ - NOB + b
        wait_load(b % NIB)
        wait_store(b)
        compute(b % NIB, b)
        if g + PD_ < NCH_:
            start_load(g + PD_, b % NIB)
        start_store(g, b)
    for b in range(NOB):
        wait_store(b)


def _kernel_sc(x, embeddings, modality_id):
    idx = jnp.full((CH_,), modality_id, dtype=jnp.int32)
    x2 = x.reshape(ROWS_, DIM_)
    mesh = plsc.VectorSubcoreMesh(core_axis_name="c", subcore_axis_name="s")
    out = pl.kernel(
        _sc_body,
        out_type=jax.ShapeDtypeStruct((ROWS_, DIM_), x.dtype),
        mesh=mesh,
        scratch_types=[
            pltpu.VMEM((CH_,), jnp.int32),
            pltpu.VMEM((CH_, DIM_), jnp.float32),
        ]
        + [pltpu.VMEM((CH_, DIM_), jnp.float32)] * 6
        + [pltpu.SemaphoreType.DMA] * 6,
    )(x2, embeddings, idx)
    return out.reshape(x.shape)


def _kernel(idx_ref, x_ref, emb_ref, o_ref):
    i = idx_ref[0]
    emb = emb_ref[:, :]
    row_ids = jax.lax.broadcasted_iota(jnp.int32, emb.shape, 0)
    tag = jnp.sum(jnp.where(row_ids == i, emb, 0.0), axis=0, keepdims=True)
    o_ref[:, :] = x_ref[:, :] + tag


def kernel(x, embeddings, modality_id):
    return _kernel_sc(x, embeddings, modality_id)


def _kernel_tc(x, embeddings, modality_id):
    idx = jnp.asarray(modality_id, dtype=jnp.int32).reshape((1,))
    x2 = x.reshape(ROWS_, DIM_)
    grid = ROWS_ // BLOCK_ROWS_
    out = pl.pallas_call(
        _kernel,
        grid_spec=pltpu.PrefetchScalarGridSpec(
            num_scalar_prefetch=1,
            grid=(grid,),
            in_specs=[
                pl.BlockSpec((BLOCK_ROWS_, DIM_), lambda g, s_ref: (g, 0)),
                pl.BlockSpec(embeddings.shape, lambda g, s_ref: (0, 0)),
            ],
            out_specs=pl.BlockSpec((BLOCK_ROWS_, DIM_), lambda g, s_ref: (g, 0)),
        ),
        out_shape=jax.ShapeDtypeStruct((ROWS_, DIM_), x.dtype),
    )(idx, x2, embeddings)
    return out.reshape(x.shape)

# --- scband reference (transcript-rebuilt; emitter-appended) ---
"""Pipeline reference for scband-modality-embeddings-37237366456729 (READ-ONLY COPY).

The authoritative reference and input builder live on the scoring server;
editing this copy changes nothing except your own understanding.
"""

import jax, jax.numpy as jnp
import numpy as np

DIM = 2048
NUM_MODALITIES = 5

def setup_inputs(seed: int = 0) -> dict:
    key = jax.random.key(seed)
    k1, k2 = jax.random.split(key)
    x = jax.random.normal(k1, (4, 4096, DIM), dtype=jnp.float32)
    embeddings = jax.random.normal(k2, (NUM_MODALITIES, DIM), dtype=jnp.float32) * 0.02
    modality_id = 3
    return {"x": x, "embeddings": embeddings, "modality_id": modality_id}

def reference(x, embeddings, modality_id):
    # tag = self.embeddings(torch.tensor([modality_id]))  -> shape [1, dim]
    idx = jnp.array([modality_id], dtype=jnp.int32)
    tag = jnp.take(embeddings, idx, axis=0)  # [1, dim]
    # broadcast add: [B, S, dim] + [1, dim]
    return x + tag

if __name__ == "__main__":
    import jax
    _d = setup_inputs()
    print(jax.jit(kernel)(*tuple(_d.values())))

</pallas_src>

<mosaic_0001>
#map = affine_map<(d0, d1) -> (0, 0)>
#map1 = affine_map<(d0, d1) -> (0)>
module attributes {stable_mosaic.version = 14 : i64} {
  func.func @_sc_body(%arg0: i32, %arg1: i32, %arg2: memref<16384x2048xf32, #tpu.memory_space<hbm>>, %arg3: memref<5x2048xf32, #tpu.memory_space<hbm>>, %arg4: memref<8xi32, #tpu.memory_space<hbm>>, %arg5: memref<16384x2048xf32, #tpu.memory_space<hbm>>, %arg6: memref<8xi32, #tpu.memory_space<vmem>>, %arg7: memref<8x2048xf32, #tpu.memory_space<vmem>>, %arg8: memref<8x2048xf32, #tpu.memory_space<vmem>>, %arg9: memref<8x2048xf32, #tpu.memory_space<vmem>>, %arg10: memref<8x2048xf32, #tpu.memory_space<vmem>>, %arg11: memref<8x2048xf32, #tpu.memory_space<vmem>>, %arg12: memref<8x2048xf32, #tpu.memory_space<vmem>>, %arg13: memref<8x2048xf32, #tpu.memory_space<vmem>>, %arg14: memref<!tpu.dma_semaphore, #tpu.memory_space<semaphore_mem>>, %arg15: memref<!tpu.dma_semaphore, #tpu.memory_space<semaphore_mem>>, %arg16: memref<!tpu.dma_semaphore, #tpu.memory_space<semaphore_mem>>, %arg17: memref<!tpu.dma_semaphore, #tpu.memory_space<semaphore_mem>>, %arg18: memref<!tpu.dma_semaphore, #tpu.memory_space<semaphore_mem>>, %arg19: memref<!tpu.dma_semaphore, #tpu.memory_space<semaphore_mem>>) attributes {dimension_semantics = [#tpu.dimension_semantics<core_parallel>, #tpu.dimension_semantics<subcore_parallel>], iteration_bounds = array<i64: 2, 16>, scalar_prefetch = 0 : i64, scratch_operands = 14 : i64, tpu.core_type = #tpu.core_type<sc_vector_subcore>, window_params = [{transform_indices = #map}, {transform_indices = #map}, {transform_indices = #map1}, {transform_indices = #map}]} {
    %mul3A = arith.constant 2 : i32
    %mul3A_0 = arith.muli %arg1, %mul3A : i32
    %add3A = arith.addi %mul3A_0, %arg0 : i32
    %mul3A_1 = arith.constant 512 : i32
    %mul3A_2 = arith.muli %add3A, %mul3A_1 : i32
    "tpu.region"() ({
      %run_scoped3A = tpu.sem_alloc : memref<!tpu.dma_semaphore, #tpu.memory_space<semaphore_mem>>
      tpu.enqueue_dma source(%arg4 : memref<8xi32, #tpu.memory_space<hbm>>) target(%arg6 : memref<8xi32, #tpu.memory_space<vmem>>) target_semaphore(%run_scoped3A : memref<!tpu.dma_semaphore, #tpu.memory_space<semaphore_mem>>)
      tpu.wait_dma2 semaphore(%run_scoped3A : memref<!tpu.dma_semaphore, #tpu.memory_space<semaphore_mem>>) src(%arg4 : memref<8xi32, #tpu.memory_space<hbm>>) dst(%arg6 : memref<8xi32, #tpu.memory_space<vmem>>)
      tpu.yield
    }) : () -> ()
    %dma_start3A = arith.constant 0 : i32
    %dma_start3A_3 = arith.constant 0 : i32
    %dma_start3A_4 = tpu.memref_slice %arg3[%dma_start3A, %dma_start3A_3] : memref<5x2048xf32, #tpu.memory_space<hbm>> -> memref<5x2048xf32, #tpu.memory_space<hbm>>
    tpu.enqueue_indirect_dma source(%dma_start3A_4 : memref<5x2048xf32, #tpu.memory_space<hbm>>) target(%arg7 : memref<8x2048xf32, #tpu.memory_space<vmem>>) offsets(%arg6 : memref<8xi32, #tpu.memory_space<vmem>>) semaphore(%arg14 : memref<!tpu.dma_semaphore, #tpu.memory_space<semaphore_mem>>)
    %dma_wait3A = arith.constant 0 : i32
    %dma_wait3A_5 = arith.constant 0 : i32
    %dma_wait3A_6 = tpu.memref_slice %arg3[%dma_wait3A, %dma_wait3A_5] : memref<5x2048xf32, #tpu.memory_space<hbm>> -> memref<5x2048xf32, #tpu.memory_space<hbm>>
    tpu.wait_indirect_dma semaphore(%arg14 : memref<!tpu.dma_semaphore, #tpu.memory_space<semaphore_mem>>) src(%dma_wait3A_6 : memref<5x2048xf32, #tpu.memory_space<hbm>>) dst(%arg7 : memref<8x2048xf32, #tpu.memory_space<vmem>>)
    %add3A_7 = arith.constant 0 : i32
    %add3A_8 = arith.addi %mul3A_2, %add3A_7 : i32
    %dma_start3A_9 = arith.constant 0 : i32
    %dma_start3A_10 = tpu.memref_slice %arg2[%add3A_8, %dma_start3A_9] : memref<16384x2048xf32, #tpu.memory_space<hbm>> -> memref<8x2048xf32, #tpu.memory_space<hbm>>
    %dma_start3A_11 = arith.constant 0 : i32
    %dma_start3A_12 = tpu.memref_slice %arg2[%add3A_8, %dma_start3A_11] : memref<16384x2048xf32, #tpu.memory_space<hbm>> -> memref<8x2048xf32, #tpu.memory_space<hbm>>
    tpu.enqueue_dma source(%dma_start3A_12 : memref<8x2048xf32, #tpu.memory_space<hbm>>) target(%arg8 : memref<8x2048xf32, #tpu.memory_space<vmem>>) target_semaphore(%arg14 : memref<!tpu.dma_semaphore, #tpu.memory_space<semaphore_mem>>)
    %add3A_13 = arith.constant 8 : i32
    %add3A_14 = arith.addi %mul3A_2, %add3A_13 : i32
    %dma_start3A_15 = arith.constant 0 : i32
    %dma_start3A_16 = tpu.memref_slice %arg2[%add3A_14, %dma_start3A_15] : memref<16384x2048xf32, #tpu.memory_space<hbm>> -> memref<8x2048xf32, #tpu.memory_space<hbm>>
    %dma_start3A_17 = arith.constant 0 : i32
    %dma_start3A_18 = tpu.memref_slice %arg2[%add3A_14, %dma_start3A_17] : memref<16384x2048xf32, #tpu.memory_space<hbm>> -> memref<8x2048xf32, #tpu.memory_space<hbm>>
    tpu.enqueue_dma source(%dma_start3A_18 : memref<8x2048xf32, #tpu.memory_space<hbm>>) target(%arg9 : memref<8x2048xf32, #tpu.memory_space<vmem>>) target_semaphore(%arg15 : memref<!tpu.dma_semaphore, #tpu.memory_space<semaphore_mem>>)
    %dma_wait3A_19 = arith.constant 0 : i32
    %dma_wait3A_20 = tpu.memref_slice %arg2[%mul3A_2, %dma_wait3A_19] : memref<16384x2048xf32, #tpu.memory_space<hbm>> -> memref<8x2048xf32, #tpu.memory_space<hbm>>
    %dma_wait3A_21 = arith.constant 0 : i32
    %dma_wait3A_22 = tpu.memref_slice %arg2[%mul3A_2, %dma_wait3A_21] : memref<16384x2048xf32, #tpu.memory_space<hbm>> -> memref<8x2048xf32, #tpu.memory_space<hbm>>
    tpu.wait_dma2 semaphore(%arg14 : memref<!tpu.dma_semaphore, #tpu.memory_space<semaphore_mem>>) src(%dma_wait3A_22 : memref<8x2048xf32, #tpu.memory_space<hbm>>) dst(%arg8 : memref<8x2048xf32, #tpu.memory_space<vmem>>)
    %add3A_23 = arith.constant 16 : i32
    %add3A_24 = arith.addi %mul3A_2, %add3A_23 : i32
    %dma_start3A_25 = arith.constant 0 : i32
    %dma_start3A_26 = tpu.memref_slice %arg2[%add3A_24, %dma_start3A_25] : memref<16384x2048xf32, #tpu.memory_space<hbm>> -> memref<8x2048xf32, #tpu.memory_space<hbm>>
    %dma_start3A_27 = arith.constant 0 : i32
    %dma_start3A_28 = tpu.memref_slice %arg2[%add3A_24, %dma_start3A_27] : memref<16384x2048xf32, #tpu.memory_space<hbm>> -> memref<8x2048xf32, #tpu.memory_space<hbm>>
    tpu.enqueue_dma source(%dma_start3A_28 : memref<8x2048xf32, #tpu.memory_space<hbm>>) target(%arg8 : memref<8x2048xf32, #tpu.memory_space<vmem>>) target_semaphore(%arg14 : memref<!tpu.dma_semaphore, #tpu.memory_space<semaphore_mem>>)
    %add3A_29 = arith.constant 0 : i32
    %add3A_30 = arith.addi %mul3A_2, %add3A_29 : i32
    %dma_start3A_31 = arith.constant 0 : i32
    %dma_start3A_32 = tpu.memref_slice %arg5[%add3A_30, %dma_start3A_31] : memref<16384x2048xf32, #tpu.memory_space<hbm>> -> memref<8x2048xf32, #tpu.memory_space<hbm>>
    %dma_start3A_33 = arith.constant 0 : i32
    %dma_start3A_34 = tpu.memref_slice %arg5[%add3A_30, %dma_start3A_33] : memref<16384x2048xf32, #tpu.memory_space<hbm>> -> memref<8x2048xf32, #tpu.memory_space<hbm>>
    tpu.enqueue_dma source(%arg10 : memref<8x2048xf32, #tpu.memory_space<vmem>>) target(%dma_start3A_34 : memref<8x2048xf32, #tpu.memory_space<hbm>>) target_semaphore(%arg16 : memref<!tpu.dma_semaphore, #tpu.memory_space<semaphore_mem>>)
    %dma_wait3A_35 = arith.constant 0 : i32
    %dma_wait3A_36 = tpu.memref_slice %arg2[%mul3A_2, %dma_wait3A_35] : memref<16384x2048xf32, #tpu.memory_space<hbm>> -> memref<8x2048xf32, #tpu.memory_space<hbm>>
    %dma_wait3A_37 = arith.constant 0 : i32
    %dma_wait3A_38 = tpu.memref_slice %arg2[%mul3A_2, %dma_wait3A_37] : memref<16384x2048xf32, #tpu.memory_space<hbm>> -> memref<8x2048xf32, #tpu.memory_space<hbm>>
    tpu.wait_dma2 semaphore(%arg15 : memref<!tpu.dma_semaphore, #tpu.memory_space<semaphore_mem>>) src(%dma_wait3A_38 : memref<8x2048xf32, #tpu.memory_space<hbm>>) dst(%arg9 : memref<8x2048xf32, #tpu.memory_space<vmem>>)
    %add3A_39 = arith.constant 24 : i32
    %add3A_40 = arith.addi %mul3A_2, %add3A_39 : i32
    %dma_start3A_41 = arith.constant 0 : i32
    %dma_start3A_42 = tpu.memref_slice %arg2[%add3A_40, %dma_start3A_41] : memref<16384x2048xf32, #tpu.memory_space<hbm>> -> memref<8x2048xf32, #tpu.memory_space<hbm>>
    %dma_start3A_43 = arith.constant 0 : i32
    %dma_start3A_44 = tpu.memref_slice %arg2[%add3A_40, %dma_start3A_43] : memref<16384x2048xf32, #tpu.memory_space<hbm>> -> memref<8x2048xf32, #tpu.memory_space<hbm>>
    tpu.enqueue_dma source(%dma_start3A_44 : memref<8x2048xf32, #tpu.memory_space<hbm>>) target(%arg9 : memref<8x2048xf32, #tpu.memory_space<vmem>>) target_semaphore(%arg15 : memref<!tpu.dma_semaphore, #tpu.memory_space<semaphore_mem>>)
    %add3A_45 = arith.constant 8 : i32
    %add3A_46 = arith.addi %mul3A_2, %add3A_45 : i32
    %dma_start3A_47 = arith.constant 0 : i32
    %dma_start3A_48 = tpu.memref_slice %arg5[%add3A_46, %dma_start3A_47] : memref<16384x2048xf32, #tpu.memory_space<hbm>> -> memref<8x2048xf32, #tpu.memory_space<hbm>>
    %dma_start3A_49 = arith.constant 0 : i32
    %dma_start3A_50 = tpu.memref_slice %arg5[%add3A_46, %dma_start3A_49] : memref<16384x2048xf32, #tpu.memory_space<hbm>> -> memref<8x2048xf32, #tpu.memory_space<hbm>>
    tpu.enqueue_dma source(%arg11 : memref<8x2048xf32, #tpu.memory_space<vmem>>) target(%dma_start3A_50 : memref<8x2048xf32, #tpu.memory_space<hbm>>) target_semaphore(%arg17 : memref<!tpu.dma_semaphore, #tpu.memory_space<semaphore_mem>>)
    %dma_wait3A_51 = arith.constant 0 : i32
    %dma_wait3A_52 = tpu.memref_slice %arg2[%mul3A_2, %dma_wait3A_51] : memref<16384x2048xf32, #tpu.memory_space<hbm>> -> memref<8x2048xf32, #tpu.memory_space<hbm>>
    %dma_wait3A_53 = arith.constant 0 : i32
    %dma_wait3A_54 = tpu.memref_slice %arg2[%mul3A_2, %dma_wait3A_53] : memref<16384x2048xf32, #tpu.memory_space<hbm>> -> memref<8x2048xf32, #tpu.memory_space<hbm>>
    tpu.wait_dma2 semaphore(%arg14 : memref<!tpu.dma_semaphore, #tpu.memory_space<semaphore_mem>>) src(%dma_wait3A_54 : memref<8x2048xf32, #tpu.memory_space<hbm>>) dst(%arg8 : memref<8x2048xf32, #tpu.memory_space<vmem>>)
    %add3A_55 = arith.constant 32 : i32
    %add3A_56 = arith.addi %mul3A_2, %add3A_55 : i32
    %dma_start3A_57 = arith.constant 0 : i32
    %dma_start3A_58 = tpu.memref_slice %arg2[%add3A_56, %dma_start3A_57] : memref<16384x2048xf32, #tpu.memory_space<hbm>> -> memref<8x2048xf32, #tpu.memory_space<hbm>>
    %dma_start3A_59 = arith.constant 0 : i32
    %dma_start3A_60 = tpu.memref_slice %arg2[%add3A_56, %dma_start3A_59] : memref<16384x2048xf32, #tpu.memory_space<hbm>> -> memref<8x2048xf32, #tpu.memory_space<hbm>>
    tpu.enqueue_dma source(%dma_start3A_60 : memref<8x2048xf32, #tpu.memory_space<hbm>>) target(%arg8 : memref<8x2048xf32, #tpu.memory_space<vmem>>) target_semaphore(%arg14 : memref<!tpu.dma_semaphore, #tpu.memory_space<semaphore_mem>>)
    %add3A_61 = arith.constant 16 : i32
    %add3A_62 = arith.addi %mul3A_2, %add3A_61 : i32
    %dma_start3A_63 = arith.constant 0 : i32
    %dma_start3A_64 = tpu.memref_slice %arg5[%add3A_62, %dma_start3A_63] : memref<16384x2048xf32, #tpu.memory_space<hbm>> -> memref<8x2048xf32, #tpu.memory_space<hbm>>
    %dma_start3A_65 = arith.constant 0 : i32
    %dma_start3A_66 = tpu.memref_slice %arg5[%add3A_62, %dma_start3A_65] : memref<16384x2048xf32, #tpu.memory_space<hbm>> -> memref<8x2048xf32, #tpu.memory_space<hbm>>
    tpu.enqueue_dma source(%arg12 : memref<8x2048xf32, #tpu.memory_space<vmem>>) target(%dma_start3A_66 : memref<8x2048xf32, #tpu.memory_space<hbm>>) target_semaphore(%arg18 : memref<!tpu.dma_semaphore, #tpu.memory_space<semaphore_mem>>)
    %dma_wait3A_67 = arith.constant 0 : i32
    %dma_wait3A_68 = tpu.memref_slice %arg2[%mul3A_2, %dma_wait3A_67] : memref<16384x2048xf32, #tpu.memory_space<hbm>> -> memref<8x2048xf32, #tpu.memory_space<hbm>>
    %dma_wait3A_69 = arith.constant 0 : i32
    %dma_wait3A_70 = tpu.memref_slice %arg2[%mul3A_2, %dma_wait3A_69] : memref<16384x2048xf32, #tpu.memory_space<hbm>> -> memref<8x2048xf32, #tpu.memory_space<hbm>>
    tpu.wait_dma2 semaphore(%arg15 : memref<!tpu.dma_semaphore, #tpu.memory_space<semaphore_mem>>) src(%dma_wait3A_70 : memref<8x2048xf32, #tpu.memory_space<hbm>>) dst(%arg9 : memref<8x2048xf32, #tpu.memory_space<vmem>>)
    %add3A_71 = arith.constant 40 : i32
    %add3A_72 = arith.addi %mul3A_2, %add3A_71 : i32
    %dma_start3A_73 = arith.constant 0 : i32
    %dma_start3A_74 = tpu.memref_slice %arg2[%add3A_72, %dma_start3A_73] : memref<16384x2048xf32, #tpu.memory_space<hbm>> -> memref<8x2048xf32, #tpu.memory_space<hbm>>
    %dma_start3A_75 = arith.constant 0 : i32
    %dma_start3A_76 = tpu.memref_slice %arg2[%add3A_72, %dma_start3A_75] : memref<16384x2048xf32, #tpu.memory_space<hbm>> -> memref<8x2048xf32, #tpu.memory_space<hbm>>
    tpu.enqueue_dma source(%dma_start3A_76 : memref<8x2048xf32, #tpu.memory_space<hbm>>) target(%arg9 : memref<8x2048xf32, #tpu.memory_space<vmem>>) target_semaphore(%arg15 : memref<!tpu.dma_semaphore, #tpu.memory_space<semaphore_mem>>)
    %add3A_77 = arith.constant 24 : i32
    %add3A_78 = arith.addi %mul3A_2, %add3A_77 : i32
    %dma_start3A_79 = arith.constant 0 : i32
    %dma_start3A_80 = tpu.memref_slice %arg5[%add3A_78, %dma_start3A_79] : memref<16384x2048xf32, #tpu.memory_space<hbm>> -> memref<8x2048xf32, #tpu.memory_space<hbm>>
    %dma_start3A_81 = arith.constant 0 : i32
    %dma_start3A_82 = tpu.memref_slice %arg5[%add3A_78, %dma_start3A_81] : memref<16384x2048xf32, #tpu.memory_space<hbm>> -> memref<8x2048xf32, #tpu.memory_space<hbm>>
    tpu.enqueue_dma source(%arg13 : memref<8x2048xf32, #tpu.memory_space<vmem>>) target(%dma_start3A_82 : memref<8x2048xf32, #tpu.memory_space<hbm>>) target_semaphore(%arg19 : memref<!tpu.dma_semaphore, #tpu.memory_space<semaphore_mem>>)
    %scan3A = arith.constant 0 : i32
    %scan3A_83 = arith.constant 1 : i32
    %scan3A_84 = arith.constant 14 : i32
    %scan3A_85 = arith.addi %scan3A_83, %scan3A_84 : i32
    %scan3A_86 = arith.constant 1 : i32
    %scan3A_87 = scf.for %scan3A_173 = %scan3A_83 to %scan3A_85 step %scan3A_86 iter_args(%scan3A_174 = %scan3A) -> (i32)  : i32 {
      %mul3A_175 = arith.constant 4 : i32
      %mul3A_176 = arith.muli %scan3A_173, %mul3A_175 : i32
      %add3A_177 = arith.constant 0 : i32
      %add3A_178 = arith.addi %mul3A_176, %add3A_177 : i32
      %dma_wait3A_179 = arith.constant 0 : i32
      %dma_wait3A_180 = tpu.memref_slice %arg2[%mul3A_2, %dma_wait3A_179] : memref<16384x2048xf32, #tpu.memory_space<hbm>> -> memref<8x2048xf32, #tpu.memory_space<hbm>>
      %dma_wait3A_181 = arith.constant 0 : i32
      %dma_wait3A_182 = tpu.memref_slice %arg2[%mul3A_2, %dma_wait3A_181] : memref<16384x2048xf32, #tpu.memory_space<hbm>> -> memref<8x2048xf32, #tpu.memory_space<hbm>>
      tpu.wait_dma2 semaphore(%arg14 : memref<!tpu.dma_semaphore, #tpu.memory_space<semaphore_mem>>) src(%dma_wait3A_182 : memref<8x2048xf32, #tpu.memory_space<hbm>>) dst(%arg8 : memref<8x2048xf32, #tpu.memory_space<vmem>>)
      %dma_wait3A_183 = arith.constant 0 : i32
      %dma_wait3A_184 = tpu.memref_slice %arg5[%mul3A_2, %dma_wait3A_183] : memref<16384x2048xf32, #tpu.memory_space<hbm>> -> memref<8x2048xf32, #tpu.memory_space<hbm>>
      %dma_wait3A_185 = arith.constant 0 : i32
      %dma_wait3A_186 = tpu.memref_slice %arg5[%mul3A_2, %dma_wait3A_185] : memref<16384x2048xf32, #tpu.memory_space<hbm>> -> memref<8x2048xf32, #tpu.memory_space<hbm>>
      tpu.wait_dma2 semaphore(%arg16 : memref<!tpu.dma_semaphore, #tpu.memory_space<semaphore_mem>>) src(%arg10 : memref<8x2048xf32, #tpu.memory_space<vmem>>) dst(%dma_wait3A_186 : memref<8x2048xf32, #tpu.memory_space<hbm>>)
      %add3A_187 = arith.constant 2 : i32
      %add3A_188 = arith.addi %add3A_178, %add3A_187 : i32
      %mul3A_189 = arith.constant 8 : i32
      %mul3A_190 = arith.muli %add3A_188, %mul3A_189 : i32
      %add3A_191 = arith.addi %mul3A_2, %mul3A_190 : i32
      %dma_start3A_192 = arith.constant 0 : i32
      %dma_start3A_193 = tpu.memref_slice %arg2[%add3A_191, %dma_start3A_192] : memref<16384x2048xf32, #tpu.memory_space<hbm>> -> memref<8x2048xf32, #tpu.memory_space<hbm>>
      %dma_start3A_194 = arith.constant 0 : i32
      %dma_start3A_195 = tpu.memref_slice %arg2[%add3A_191, %dma_start3A_194] : memref<16384x2048xf32, #tpu.memory_space<hbm>> -> memref<8x2048xf32, #tpu.memory_space<hbm>>
      tpu.enqueue_dma source(%dma_start3A_195 : memref<8x2048xf32, #tpu.memory_space<hbm>>) target(%arg8 : memref<8x2048xf32, #tpu.memory_space<vmem>>) target_semaphore(%arg14 : memref<!tpu.dma_semaphore, #tpu.memory_space<semaphore_mem>>)
      %mul3A_196 = arith.constant 8 : i32
      %mul3A_197 = arith.muli %add3A_178, %mul3A_196 : i32
      %add3A_198 = arith.addi %mul3A_2, %mul3A_197 : i32
      %dma_start3A_199 = arith.constant 0 : i32
      %dma_start3A_200 = tpu.memref_slice %arg5[%add3A_198, %dma_start3A_199] : memref<16384x2048xf32, #tpu.memory_space<hbm>> -> memref<8x2048xf32, #tpu.memory_space<hbm>>
      %dma_start3A_201 = arith.constant 0 : i32
      %dma_start3A_202 = tpu.memref_slice %arg5[%add3A_198, %dma_start3A_201] : memref<16384x2048xf32, #tpu.memory_space<hbm>> -> memref<8x2048xf32, #tpu.memory_space<hbm>>
      tpu.enqueue_dma source(%arg10 : memref<8x2048xf32, #tpu.memory_space<vmem>>) target(%dma_start3A_202 : memref<8x2048xf32, #tpu.memory_space<hbm>>) target_semaphore(%arg16 : memref<!tpu.dma_semaphore, #tpu.memory_space<semaphore_mem>>)
      %mul3A_203 = arith.constant 4 : i32
      %mul3A_204 = arith.muli %scan3A_173, %mul3A_203 : i32
      %add3A_205 = arith.constant 1 : i32
      %add3A_206 = arith.addi %mul3A_204, %add3A_205 : i32
      %dma_wait3A_207 = arith.constant 0 : i32
      %dma_wait3A_208 = tpu.memref_slice %arg2[%mul3A_2, %dma_wait3A_207] : memref<16384x2048xf32, #tpu.memory_space<hbm>> -> memref<8x2048xf32, #tpu.memory_space<hbm>>
      %dma_wait3A_209 = arith.constant 0 : i32
      %dma_wait3A_210 = tpu.memref_slice %arg2[%mul3A_2, %dma_wait3A_209] : memref<16384x2048xf32, #tpu.memory_space<hbm>> -> memref<8x2048xf32, #tpu.memory_space<hbm>>
      tpu.wait_dma2 semaphore(%arg15 : memref<!tpu.dma_semaphore, #tpu.memory_space<semaphore_mem>>) src(%dma_wait3A_210 : memref<8x2048xf32, #tpu.memory_space<hbm>>) dst(%arg9 : memref<8x2048xf32, #tpu.memory_space<vmem>>)
      %dma_wait3A_211 = arith.constant 0 : i32
      %dma_wait3A_212 = tpu.memref_slice %arg5[%mul3A_2, %dma_wait3A_211] : memref<16384x2048xf32, #tpu.memory_space<hbm>> -> memref<8x2048xf32, #tpu.memory_space<hbm>>
      %dma_wait3A_213 = arith.constant 0 : i32
      %dma_wait3A_214 = tpu.memref_slice %arg5[%mul3A_2, %dma_wait3A_213] : memref<16384x2048xf32, #tpu.memory_space<hbm>> -> memref<8x2048xf32, #tpu.memory_space<hbm>>
      tpu.wait_dma2 semaphore(%arg17 : memref<!tpu.dma_semaphore, #tpu.memory_space<semaphore_mem>>) src(%arg11 : memref<8x2048xf32, #tpu.memory_space<vmem>>) dst(%dma_wait3A_214 : memref<8x2048xf32, #tpu.memory_space<hbm>>)
      %add3A_215 = arith.constant 2 : i32
      %add3A_216 = arith.addi %add3A_206, %add3A_215 : i32
      %mul3A_217 = arith.constant 8 : i32
      %mul3A_218 = arith.muli %add3A_216, %mul3A_217 : i32
      %add3A_219 = arith.addi %mul3A_2, %mul3A_218 : i32
      %dma_start3A_220 = arith.constant 0 : i32
      %dma_start3A_221 = tpu.memref_slice %arg2[%add3A_219, %dma_start3A_220] : memref<16384x2048xf32, #tpu.memory_space<hbm>> -> memref<8x2048xf32, #tpu.memory_space<hbm>>
      %dma_start3A_222 = arith.constant 0 : i32
      %dma_start3A_223 = tpu.memref_slice %arg2[%add3A_219, %dma_start3A_222] : memref<16384x2048xf32, #tpu.memory_space<hbm>> -> memref<8x2048xf32, #tpu.memory_space<hbm>>
      tpu.enqueue_dma source(%dma_start3A_223 : memref<8x2048xf32, #tpu.memory_space<hbm>>) target(%arg9 : memref<8x2048xf32, #tpu.memory_space<vmem>>) target_semaphore(%arg15 : memref<!tpu.dma_semaphore, #tpu.memory_space<semaphore_mem>>)
      %mul3A_224 = arith.constant 8 : i32
      %mul3A_225 = arith.muli %add3A_206, %mul3A_224 : i32
      %add3A_226 = arith.addi %mul3A_2, %mul3A_225 : i32
      %dma_start3A_227 = arith.constant 0 : i32
      %dma_start3A_228 = tpu.memref_slice %arg5[%add3A_226, %dma_start3A_227] : memref<16384x2048xf32, #tpu.memory_space<hbm>> -> memref<8x2048xf32, #tpu.memory_space<hbm>>
      %dma_start3A_229 = arith.constant 0 : i32
      %dma_start3A_230 = tpu.memref_slice %arg5[%add3A_226, %dma_start3A_229] : memref<16384x2048xf32, #tpu.memory_space<hbm>> -> memref<8x2048xf32, #tpu.memory_space<hbm>>
      tpu.enqueue_dma source(%arg11 : memref<8x2048xf32, #tpu.memory_space<vmem>>) target(%dma_start3A_230 : memref<8x2048xf32, #tpu.memory_space<hbm>>) target_semaphore(%arg17 : memref<!tpu.dma_semaphore, #tpu.memory_space<semaphore_mem>>)
      %mul3A_231 = arith.constant 4 : i32
      %mul3A_232 = arith.muli %scan3A_173, %mul3A_231 : i32
      %add3A_233 = arith.constant 2 : i32
      %add3A_234 = arith.addi %mul3A_232, %add3A_233 : i32
      %dma_wait3A_235 = arith.constant 0 : i32
      %dma_wait3A_236 = tpu.memref_slice %arg2[%mul3A_2, %dma_wait3A_235] : memref<16384x2048xf32, #tpu.memory_space<hbm>> -> memref<8x2048xf32, #tpu.memory_space<hbm>>
      %dma_wait3A_237 = arith.constant 0 : i32
      %dma_wait3A_238 = tpu.memref_slice %arg2[%mul3A_2, %dma_wait3A_237] : memref<16384x2048xf32, #tpu.memory_space<hbm>> -> memref<8x2048xf32, #tpu.memory_space<hbm>>
      tpu.wait_dma2 semaphore(%arg14 : memref<!tpu.dma_semaphore, #tpu.memory_space<semaphore_mem>>) src(%dma_wait3A_238 : memref<8x2048xf32, #tpu.memory_space<hbm>>) dst(%arg8 : memref<8x2048xf32, #tpu.memory_space<vmem>>)
      %dma_wait3A_239 = arith.constant 0 : i32
      %dma_wait3A_240 = tpu.memref_slice %arg5[%mul3A_2, %dma_wait3A_239] : memref<16384x2048xf32, #tpu.memory_space<hbm>> -> memref<8x2048xf32, #tpu.memory_space<hbm>>
      %dma_wait3A_241 = arith.constant 0 : i32
      %dma_wait3A_242 = tpu.memref_slice %arg5[%mul3A_2, %dma_wait3A_241] : memref<16384x2048xf32, #tpu.memory_space<hbm>> -> memref<8x2048xf32, #tpu.memory_space<hbm>>
      tpu.wait_dma2 semaphore(%arg18 : memref<!tpu.dma_semaphore, #tpu.memory_space<semaphore_mem>>) src(%arg12 : memref<8x2048xf32, #tpu.memory_space<vmem>>) dst(%dma_wait3A_242 : memref<8x2048xf32, #tpu.memory_space<hbm>>)
      %add3A_243 = arith.constant 2 : i32
      %add3A_244 = arith.addi %add3A_234, %add3A_243 : i32
      %mul3A_245 = arith.constant 8 : i32
      %mul3A_246 = arith.muli %add3A_244, %mul3A_245 : i32
      %add3A_247 = arith.addi %mul3A_2, %mul3A_246 : i32
      %dma_start3A_248 = arith.constant 0 : i32
      %dma_start3A_249 = tpu.memref_slice %arg2[%add3A_247, %dma_start3A_248] : memref<16384x2048xf32, #tpu.memory_space<hbm>> -> memref<8x2048xf32, #tpu.memory_space<hbm>>
      %dma_start3A_250 = arith.constant 0 : i32
      %dma_start3A_251 = tpu.memref_slice %arg2[%add3A_247, %dma_start3A_250] : memref<16384x2048xf32, #tpu.memory_space<hbm>> -> memref<8x2048xf32, #tpu.memory_space<hbm>>
      tpu.enqueue_dma source(%dma_start3A_251 : memref<8x2048xf32, #tpu.memory_space<hbm>>) target(%arg8 : memref<8x2048xf32, #tpu.memory_space<vmem>>) target_semaphore(%arg14 : memref<!tpu.dma_semaphore, #tpu.memory_space<semaphore_mem>>)
      %mul3A_252 = arith.constant 8 : i32
      %mul3A_253 = arith.muli %add3A_234, %mul3A_252 : i32
      %add3A_254 = arith.addi %mul3A_2, %mul3A_253 : i32
      %dma_start3A_255 = arith.constant 0 : i32
      %dma_start3A_256 = tpu.memref_slice %arg5[%add3A_254, %dma_start3A_255] : memref<16384x2048xf32, #tpu.memory_space<hbm>> -> memref<8x2048xf32, #tpu.memory_space<hbm>>
      %dma_start3A_257 = arith.constant 0 : i32
      %dma_start3A_258 = tpu.memref_slice %arg5[%add3A_254, %dma_start3A_257] : memref<16384x2048xf32, #tpu.memory_space<hbm>> -> memref<8x2048xf32, #tpu.memory_space<hbm>>
      tpu.enqueue_dma source(%arg12 : memref<8x2048xf32, #tpu.memory_space<vmem>>) target(%dma_start3A_258 : memref<8x2048xf32, #tpu.memory_space<hbm>>) target_semaphore(%arg18 : memref<!tpu.dma_semaphore, #tpu.memory_space<semaphore_mem>>)
      %mul3A_259 = arith.constant 4 : i32
      %mul3A_260 = arith.muli %scan3A_173, %mul3A_259 : i32
      %add3A_261 = arith.constant 3 : i32
      %add3A_262 = arith.addi %mul3A_260, %add3A_261 : i32
      %dma_wait3A_263 = arith.constant 0 : i32
      %dma_wait3A_264 = tpu.memref_slice %arg2[%mul3A_2, %dma_wait3A_263] : memref<16384x2048xf32, #tpu.memory_space<hbm>> -> memref<8x2048xf32, #tpu.memory_space<hbm>>
      %dma_wait3A_265 = arith.constant 0 : i32
      %dma_wait3A_266 = tpu.memref_slice %arg2[%mul3A_2, %dma_wait3A_265] : memref<16384x2048xf32, #tpu.memory_space<hbm>> -> memref<8x2048xf32, #tpu.memory_space<hbm>>
      tpu.wait_dma2 semaphore(%arg15 : memref<!tpu.dma_semaphore, #tpu.memory_space<semaphore_mem>>) src(%dma_wait3A_266 : memref<8x2048xf32, #tpu.memory_space<hbm>>) dst(%arg9 : memref<8x2048xf32, #tpu.memory_space<vmem>>)
      %dma_wait3A_267 = arith.constant 0 : i32
      %dma_wait3A_268 = tpu.memref_slice %arg5[%mul3A_2, %dma_wait3A_267] : memref<16384x2048xf32, #tpu.memory_space<hbm>> -> memref<8x2048xf32, #tpu.memory_space<hbm>>
      %dma_wait3A_269 = arith.constant 0 : i32
      %dma_wait3A_270 = tpu.memref_slice %arg5[%mul3A_2, %dma_wait3A_269] : memref<16384x2048xf32, #tpu.memory_space<hbm>> -> memref<8x2048xf32, #tpu.memory_space<hbm>>
      tpu.wait_dma2 semaphore(%arg19 : memref<!tpu.dma_semaphore, #tpu.memory_space<semaphore_mem>>) src(%arg13 : memref<8x2048xf32, #tpu.memory_space<vmem>>) dst(%dma_wait3A_270 : memref<8x2048xf32, #tpu.memory_space<hbm>>)
      %add3A_271 = arith.constant 2 : i32
      %add3A_272 = arith.addi %add3A_262, %add3A_271 : i32
      %mul3A_273 = arith.constant 8 : i32
      %mul3A_274 = arith.muli %add3A_272, %mul3A_273 : i32
      %add3A_275 = arith.addi %mul3A_2, %mul3A_274 : i32
      %dma_start3A_276 = arith.constant 0 : i32
      %dma_start3A_277 = tpu.memref_slice %arg2[%add3A_275, %dma_start3A_276] : memref<16384x2048xf32, #tpu.memory_space<hbm>> -> memref<8x2048xf32, #tpu.memory_space<hbm>>
      %dma_start3A_278 = arith.constant 0 : i32
      %dma_start3A_279 = tpu.memref_slice %arg2[%add3A_275, %dma_start3A_278] : memref<16384x2048xf32, #tpu.memory_space<hbm>> -> memref<8x2048xf32, #tpu.memory_space<hbm>>
      tpu.enqueue_dma source(%dma_start3A_279 : memref<8x2048xf32, #tpu.memory_space<hbm>>) target(%arg9 : memref<8x2048xf32, #tpu.memory_space<vmem>>) target_semaphore(%arg15 : memref<!tpu.dma_semaphore, #tpu.memory_space<semaphore_mem>>)
      %mul3A_280 = arith.constant 8 : i32
      %mul3A_281 = arith.muli %add3A_262, %mul3A_280 : i32
      %add3A_282 = arith.addi %mul3A_2, %mul3A_281 : i32
      %dma_start3A_283 = arith.constant 0 : i32
      %dma_start3A_284 = tpu.memref_slice %arg5[%add3A_282, %dma_start3A_283] : memref<16384x2048xf32, #tpu.memory_space<hbm>> -> memref<8x2048xf32, #tpu.memory_space<hbm>>
      %dma_start3A_285 = arith.constant 0 : i32
      %dma_start3A_286 = tpu.memref_slice %arg5[%add3A_282, %dma_start3A_285] : memref<16384x2048xf32, #tpu.memory_space<hbm>> -> memref<8x2048xf32, #tpu.memory_space<hbm>>
      tpu.enqueue_dma source(%arg13 : memref<8x2048xf32, #tpu.memory_space<vmem>>) target(%dma_start3A_286 : memref<8x2048xf32, #tpu.memory_space<hbm>>) target_semaphore(%arg19 : memref<!tpu.dma_semaphore, #tpu.memory_space<semaphore_mem>>)
      %scan3A_287 = arith.constant 0 : i32
      scf.yield %scan3A_287 : i32
    }
    %scan3A_88 = arith.constant 14 : i32
    %dma_wait3A_89 = arith.constant 0 : i32
    %dma_wait3A_90 = tpu.memref_slice %arg2[%mul3A_2, %dma_wait3A_89] : memref<16384x2048xf32, #tpu.memory_space<hbm>> -> memref<8x2048xf32, #tpu.memory_space<hbm>>
    %dma_wait3A_91 = arith.constant 0 : i32
    %dma_wait3A_92 = tpu.memref_slice %arg2[%mul3A_2, %dma_wait3A_91] : memref<16384x2048xf32, #tpu.memory_space<hbm>> -> memref<8x2048xf32, #tpu.memory_space<hbm>>
    tpu.wait_dma2 semaphore(%arg14 : memref<!tpu.dma_semaphore, #tpu.memory_space<semaphore_mem>>) src(%dma_wait3A_92 : memref<8x2048xf32, #tpu.memory_space<hbm>>) dst(%arg8 : memref<8x2048xf32, #tpu.memory_space<vmem>>)
    %dma_wait3A_93 = arith.constant 0 : i32
    %dma_wait3A_94 = tpu.memref_slice %arg5[%mul3A_2, %dma_wait3A_93] : memref<16384x2048xf32, #tpu.memory_space<hbm>> -> memref<8x2048xf32, #tpu.memory_space<hbm>>
    %dma_wait3A_95 = arith.constant 0 : i32
    %dma_wait3A_96 = tpu.memref_slice %arg5[%mul3A_2, %dma_wait3A_95] : memref<16384x2048xf32, #tpu.memory_space<hbm>> -> memref<8x2048xf32, #tpu.memory_space<hbm>>
    tpu.wait_dma2 semaphore(%arg16 : memref<!tpu.dma_semaphore, #tpu.memory_space<semaphore_mem>>) src(%arg10 : memref<8x2048xf32, #tpu.memory_space<vmem>>) dst(%dma_wait3A_96 : memref<8x2048xf32, #tpu.memory_space<hbm>>)
    %add3A_97 = arith.constant 496 : i32
    %add3A_98 = arith.addi %mul3A_2, %add3A_97 : i32
    %dma_start3A_99 = arith.constant 0 : i32
    %dma_start3A_100 = tpu.memref_slice %arg2[%add3A_98, %dma_start3A_99] : memref<16384x2048xf32, #tpu.memory_space<hbm>> -> memref<8x2048xf32, #tpu.memory_space<hbm>>
    %dma_start3A_101 = arith.constant 0 : i32
    %dma_start3A_102 = tpu.memref_slice %arg2[%add3A_98, %dma_start3A_101] : memref<16384x2048xf32, #tpu.memory_space<hbm>> -> memref<8x2048xf32, #tpu.memory_space<hbm>>
    tpu.enqueue_dma source(%dma_start3A_102 : memref<8x2048xf32, #tpu.memory_space<hbm>>) target(%arg8 : memref<8x2048xf32, #tpu.memory_space<vmem>>) target_semaphore(%arg14 : memref<!tpu.dma_semaphore, #tpu.memory_space<semaphore_mem>>)
    %add3A_103 = arith.constant 480 : i32
    %add3A_104 = arith.addi %mul3A_2, %add3A_103 : i32
    %dma_start3A_105 = arith.constant 0 : i32
    %dma_start3A_106 = tpu.memref_slice %arg5[%add3A_104, %dma_start3A_105] : memref<16384x2048xf32, #tpu.memory_space<hbm>> -> memref<8x2048xf32, #tpu.memory_space<hbm>>
    %dma_start3A_107 = arith.constant 0 : i32
    %dma_start3A_108 = tpu.memref_slice %arg5[%add3A_104, %dma_start3A_107] : memref<16384x2048xf32, #tpu.memory_space<hbm>> -> memref<8x2048xf32, #tpu.memory_space<hbm>>
    tpu.enqueue_dma source(%arg10 : memref<8x2048xf32, #tpu.memory_space<vmem>>) target(%dma_start3A_108 : memref<8x2048xf32, #tpu.memory_space<hbm>>) target_semaphore(%arg16 : memref<!tpu.dma_semaphore, #tpu.memory_space<semaphore_mem>>)
    %dma_wait3A_109 = arith.constant 0 : i32
    %dma_wait3A_110 = tpu.memref_slice %arg2[%mul3A_2, %dma_wait3A_109] : memref<16384x2048xf32, #tpu.memory_space<hbm>> -> memref<8x2048xf32, #tpu.memory_space<hbm>>
    %dma_wait3A_111 = arith.constant 0 : i32
    %dma_wait3A_112 = tpu.memref_slice %arg2[%mul3A_2, %dma_wait3A_111] : memref<16384x2048xf32, #tpu.memory_space<hbm>> -> memref<8x2048xf32, #tpu.memory_space<hbm>>
    tpu.wait_dma2 semaphore(%arg15 : memref<!tpu.dma_semaphore, #tpu.memory_space<semaphore_mem>>) src(%dma_wait3A_112 : memref<8x2048xf32, #tpu.memory_space<hbm>>) dst(%arg9 : memref<8x2048xf32, #tpu.memory_space<vmem>>)
    %dma_wait3A_113 = arith.constant 0 : i32
    %dma_wait3A_114 = tpu.memref_slice %arg5[%mul3A_2, %dma_wait3A_113] : memref<16384x2048xf32, #tpu.memory_space<hbm>> -> memref<8x2048xf32, #tpu.memory_space<hbm>>
    %dma_wait3A_115 = arith.constant 0 : i32
    %dma_wait3A_116 = tpu.memref_slice %arg5[%mul3A_2, %dma_wait3A_115] : memref<16384x2048xf32, #tpu.memory_space<hbm>> -> memref<8x2048xf32, #tpu.memory_space<hbm>>
    tpu.wait_dma2 semaphore(%arg17 : memref<!tpu.dma_semaphore, #tpu.memory_space<semaphore_mem>>) src(%arg11 : memref<8x2048xf32, #tpu.memory_space<vmem>>) dst(%dma_wait3A_116 : memref<8x2048xf32, #tpu.memory_space<hbm>>)
    %add3A_117 = arith.constant 504 : i32
    %add3A_118 = arith.addi %mul3A_2, %add3A_117 : i32
    %dma_start3A_119 = arith.constant 0 : i32
    %dma_start3A_120 = tpu.memref_slice %arg2[%add3A_118, %dma_start3A_119] : memref<16384x2048xf32, #tpu.memory_space<hbm>> -> memref<8x2048xf32, #tpu.memory_space<hbm>>
    %dma_start3A_121 = arith.constant 0 : i32
    %dma_start3A_122 = tpu.memref_slice %arg2[%add3A_118, %dma_start3A_121] : memref<16384x2048xf32, #tpu.memory_space<hbm>> -> memref<8x2048xf32, #tpu.memory_space<hbm>>
    tpu.enqueue_dma source(%dma_start3A_122 : memref<8x2048xf32, #tpu.memory_space<hbm>>) target(%arg9 : memref<8x2048xf32, #tpu.memory_space<vmem>>) target_semaphore(%arg15 : memref<!tpu.dma_semaphore, #tpu.memory_space<semaphore_mem>>)
    %add3A_123 = arith.constant 488 : i32
    %add3A_124 = arith.addi %mul3A_2, %add3A_123 : i32
    %dma_start3A_125 = arith.constant 0 : i32
    %dma_start3A_126 = tpu.memref_slice %arg5[%add3A_124, %dma_start3A_125] : memref<16384x2048xf32, #tpu.memory_space<hbm>> -> memref<8x2048xf32, #tpu.memory_space<hbm>>
    %dma_start3A_127 = arith.constant 0 : i32
    %dma_start3A_128 = tpu.memref_slice %arg5[%add3A_124, %dma_start3A_127] : memref<16384x2048xf32, #tpu.memory_space<hbm>> -> memref<8x2048xf32, #tpu.memory_space<hbm>>
    tpu.enqueue_dma source(%arg11 : memref<8x2048xf32, #tpu.memory_space<vmem>>) target(%dma_start3A_128 : memref<8x2048xf32, #tpu.memory_space<hbm>>) target_semaphore(%arg17 : memref<!tpu.dma_semaphore, #tpu.memory_space<semaphore_mem>>)
    %dma_wait3A_129 = arith.constant 0 : i32
    %dma_wait3A_130 = tpu.memref_slice %arg2[%mul3A_2, %dma_wait3A_129] : memref<16384x2048xf32, #tpu.memory_space<hbm>> -> memref<8x2048xf32, #tpu.memory_space<hbm>>
    %dma_wait3A_131 = arith.constant 0 : i32
    %dma_wait3A_132 = tpu.memref_slice %arg2[%mul3A_2, %dma_wait3A_131] : memref<16384x2048xf32, #tpu.memory_space<hbm>> -> memref<8x2048xf32, #tpu.memory_space<hbm>>
    tpu.wait_dma2 semaphore(%arg14 : memref<!tpu.dma_semaphore, #tpu.memory_space<semaphore_mem>>) src(%dma_wait3A_132 : memref<8x2048xf32, #tpu.memory_space<hbm>>) dst(%arg8 : memref<8x2048xf32, #tpu.memory_space<vmem>>)
    %dma_wait3A_133 = arith.constant 0 : i32
    %dma_wait3A_134 = tpu.memref_slice %arg5[%mul3A_2, %dma_wait3A_133] : memref<16384x2048xf32, #tpu.memory_space<hbm>> -> memref<8x2048xf32, #tpu.memory_space<hbm>>
    %dma_wait3A_135 = arith.constant 0 : i32
    %dma_wait3A_136 = tpu.memref_slice %arg5[%mul3A_2, %dma_wait3A_135] : memref<16384x2048xf32, #tpu.memory_space<hbm>> -> memref<8x2048xf32, #tpu.memory_space<hbm>>
    tpu.wait_dma2 semaphore(%arg18 : memref<!tpu.dma_semaphore, #tpu.memory_space<semaphore_mem>>) src(%arg12 : memref<8x2048xf32, #tpu.memory_space<vmem>>) dst(%dma_wait3A_136 : memref<8x2048xf32, #tpu.memory_space<hbm>>)
    %add3A_137 = arith.constant 496 : i32
    %add3A_138 = arith.addi %mul3A_2, %add3A_137 : i32
    %dma_start3A_139 = arith.constant 0 : i32
    %dma_start3A_140 = tpu.memref_slice %arg5[%add3A_138, %dma_start3A_139] : memref<16384x2048xf32, #tpu.memory_space<hbm>> -> memref<8x2048xf32, #tpu.memory_space<hbm>>
    %dma_start3A_141 = arith.constant 0 : i32
    %dma_start3A_142 = tpu.memref_slice %arg5[%add3A_138, %dma_start3A_141] : memref<16384x2048xf32, #tpu.memory_space<hbm>> -> memref<8x2048xf32, #tpu.memory_space<hbm>>
    tpu.enqueue_dma source(%arg12 : memref<8x2048xf32, #tpu.memory_space<vmem>>) target(%dma_start3A_142 : memref<8x2048xf32, #tpu.memory_space<hbm>>) target_semaphore(%arg18 : memref<!tpu.dma_semaphore, #tpu.memory_space<semaphore_mem>>)
    %dma_wait3A_143 = arith.constant 0 : i32
    %dma_wait3A_144 = tpu.memref_slice %arg2[%mul3A_2, %dma_wait3A_143] : memref<16384x2048xf32, #tpu.memory_space<hbm>> -> memref<8x2048xf32, #tpu.memory_space<hbm>>
    %dma_wait3A_145 = arith.constant 0 : i32
    %dma_wait3A_146 = tpu.memref_slice %arg2[%mul3A_2, %dma_wait3A_145] : memref<16384x2048xf32, #tpu.memory_space<hbm>> -> memref<8x2048xf32, #tpu.memory_space<hbm>>
    tpu.wait_dma2 semaphore(%arg15 : memref<!tpu.dma_semaphore, #tpu.memory_space<semaphore_mem>>) src(%dma_wait3A_146 : memref<8x2048xf32, #tpu.memory_space<hbm>>) dst(%arg9 : memref<8x2048xf32, #tpu.memory_space<vmem>>)
    %dma_wait3A_147 = arith.constant 0 : i32
    %dma_wait3A_148 = tpu.memref_slice %arg5[%mul3A_2, %dma_wait3A_147] : memref<16384x2048xf32, #tpu.memory_space<hbm>> -> memref<8x2048xf32, #tpu.memory_space<hbm>>
    %dma_wait3A_149 = arith.constant 0 : i32
    %dma_wait3A_150 = tpu.memref_slice %arg5[%mul3A_2, %dma_wait3A_149] : memref<16384x2048xf32, #tpu.memory_space<hbm>> -> memref<8x2048xf32, #tpu.memory_space<hbm>>
    tpu.wait_dma2 semaphore(%arg19 : memref<!tpu.dma_semaphore, #tpu.memory_space<semaphore_mem>>) src(%arg13 : memref<8x2048xf32, #tpu.memory_space<vmem>>) dst(%dma_wait3A_150 : memref<8x2048xf32, #tpu.memory_space<hbm>>)
    %add3A_151 = arith.constant 504 : i32
    %add3A_152 = arith.addi %mul3A_2, %add3A_151 : i32
    %dma_start3A_153 = arith.constant 0 : i32
    %dma_start3A_154 = tpu.memref_slice %arg5[%add3A_152, %dma_start3A_153] : memref<16384x2048xf32, #tpu.memory_space<hbm>> -> memref<8x2048xf32, #tpu.memory_space<hbm>>
    %dma_start3A_155 = arith.constant 0 : i32
    %dma_start3A_156 = tpu.memref_slice %arg5[%add3A_152, %dma_start3A_155] : memref<16384x2048xf32, #tpu.memory_space<hbm>> -> memref<8x2048xf32, #tpu.memory_space<hbm>>
    tpu.enqueue_dma source(%arg13 : memref<8x2048xf32, #tpu.memory_space<vmem>>) target(%dma_start3A_156 : memref<8x2048xf32, #tpu.memory_space<hbm>>) target_semaphore(%arg19 : memref<!tpu.dma_semaphore, #tpu.memory_space<semaphore_mem>>)
    %dma_wait3A_157 = arith.constant 0 : i32
    %dma_wait3A_158 = tpu.memref_slice %arg5[%mul3A_2, %dma_wait3A_157] : memref<16384x2048xf32, #tpu.memory_space<hbm>> -> memref<8x2048xf32, #tpu.memory_space<hbm>>
    %dma_wait3A_159 = arith.constant 0 : i32
    %dma_wait3A_160 = tpu.memref_slice %arg5[%mul3A_2, %dma_wait3A_159] : memref<16384x2048xf32, #tpu.memory_space<hbm>> -> memref<8x2048xf32, #tpu.memory_space<hbm>>
    tpu.wait_dma2 semaphore(%arg16 : memref<!tpu.dma_semaphore, #tpu.memory_space<semaphore_mem>>) src(%arg10 : memref<8x2048xf32, #tpu.memory_space<vmem>>) dst(%dma_wait3A_160 : memref<8x2048xf32, #tpu.memory_space<hbm>>)
    %dma_wait3A_161 = arith.constant 0 : i32
    %dma_wait3A_162 = tpu.memref_slice %arg5[%mul3A_2, %dma_wait3A_161] : memref<16384x2048xf32, #tpu.memory_space<hbm>> -> memref<8x2048xf32, #tpu.memory_space<hbm>>
    %dma_wait3A_163 = arith.constant 0 : i32
    %dma_wait3A_164 = tpu.memref_slice %arg5[%mul3A_2, %dma_wait3A_163] : memref<16384x2048xf32, #tpu.memory_space<hbm>> -> memref<8x2048xf32, #tpu.memory_space<hbm>>
    tpu.wait_dma2 semaphore(%arg17 : memref<!tpu.dma_semaphore, #tpu.memory_space<semaphore_mem>>) src(%arg11 : memref<8x2048xf32, #tpu.memory_space<vmem>>) dst(%dma_wait3A_164 : memref<8x2048xf32, #tpu.memory_space<hbm>>)
    %dma_wait3A_165 = arith.constant 0 : i32
    %dma_wait3A_166 = tpu.memref_slice %arg5[%mul3A_2, %dma_wait3A_165] : memref<16384x2048xf32, #tpu.memory_space<hbm>> -> memref<8x2048xf32, #tpu.memory_space<hbm>>
    %dma_wait3A_167 = arith.constant 0 : i32
    %dma_wait3A_168 = tpu.memref_slice %arg5[%mul3A_2, %dma_wait3A_167] : memref<16384x2048xf32, #tpu.memory_space<hbm>> -> memref<8x2048xf32, #tpu.memory_space<hbm>>
    tpu.wait_dma2 semaphore(%arg18 : memref<!tpu.dma_semaphore, #tpu.memory_space<semaphore_mem>>) src(%arg12 : memref<8x2048xf32, #tpu.memory_space<vmem>>) dst(%dma_wait3A_168 : memref<8x2048xf32, #tpu.memory_space<hbm>>)
    %dma_wait3A_169 = arith.constant 0 : i32
    %dma_wait3A_170 = tpu.memref_slice %arg5[%mul3A_2, %dma_wait3A_169] : memref<16384x2048xf32, #tpu.memory_space<hbm>> -> memref<8x2048xf32, #tpu.memory_space<hbm>>
    %dma_wait3A_171 = arith.constant 0 : i32
    %dma_wait3A_172 = tpu.memref_slice %arg5[%mul3A_2, %dma_wait3A_171] : memref<16384x2048xf32, #tpu.memory_space<hbm>> -> memref<8x2048xf32, #tpu.memory_space<hbm>>
    tpu.wait_dma2 semaphore(%arg19 : memref<!tpu.dma_semaphore, #tpu.memory_space<semaphore_mem>>) src(%arg13 : memref<8x2048xf32, #tpu.memory_space<vmem>>) dst(%dma_wait3A_172 : memref<8x2048xf32, #tpu.memory_space<hbm>>)
    return
  }
}

</mosaic_0001>

<sc_bundles>
// kernel: kernel.3.cloned.1.call-start
scs
__scs_entry_jumppad:
0x0: {  	(pc) =	sbr.rel $0x88, $3  }
0x1: {  	(tag) =	ssettag $0x0;
	lr =	simm.s32 $0x1  }
0x2: {  	[smem:$0x3F9E] =	sst lr;
	_ =	strace $0xD0000000  }
0x3: {  	_ = 	snop  }
0x4: {  	_ = 	snop  }
0x5: {  	_ = 	snop  }
0x6: {  	_ = 	snop  }
0x7: {  	_ = 	snop  }
__scs_overlays_trampoline_lowered:
0x8: {  	[smem:$0x3FAD] =	sst s0  }
0x9: {  	[smem:$0x3FAE] =	sst s1  }
0xa: {  	[smem:$0x3FAF] =	sst s2  }
0xb: {  	[smem:$0x3FB0] =	sst s3  }
0xc: {  	[smem:$0x3FB1] =	sst s4  }
0xd: {  	[smem:$0x3FB2] =	sst s5  }
0xe: {  	[smem:$0x3FB3] =	sst s6  }
0xf: {  	[smem:$0x3FB4] =	sst s7  }
0x10: {  	[smem:$0x3FB5] =	sst s8  }
0x11: {  	[smem:$0x3FB6] =	sst s9;
	s0 =	simm.s32 @!p0 $0x0  }
0x12: {  	s1 =	sld [smem:$0x3F9C];
	s0 =	simm.s32 @p0 $0x1  }
0x13: {  	[smem:$0x3FB7] =	sst s0;
	s0 =	simm.s32 @!p1 $0x0  }
0x14: {  	s2 =	sld [smem:$0x3F9B];
	s0 =	simm.s32 @p1 $0x1  }
0x15: {  	[smem:$0x3FB8] =	sst s0;
	s0 =	simm.s32 @!p2 $0x0  }
0x16: {  	s3 =	sld [smem:$0x3FDB];
	s0 =	simm.s32 @p2 $0x1  }
0x17: {  	s4 =	simm.s32 $0x1BF5;
	[smem:$0x3FBA] =	sst s0  }
0x18: {  	s0 =	sld [smem:$0x3F9D];
	_ =	swait.ge [sflag:s4], $0x0  }
0x19: {  	s7 =	sld [smem:$0x3F9E]  }
0x1a: {  	s8 =	sadd.s32 $0xFFFFE003, lr  }
0x1b: {  	s9 =	sadd.s32 $0xFFFFFEF7, lr;
	s5 =	simm.s32 $0xFFFFFFFF;
	p2 =	slt.u32 s8, $0xFFFFF086  }
0x1c: {  	p1 =	slt.u32 s9, $0xF7A;
	s5 =	simm.s32 @!p2 $0x0  }
0x1d: {  	s5 =	simm.s32 @p1 $0x1;
	p0 =	seq.s32 s7, s2  }
0x1e: {  	s7 =	smul.u32 @!p0 $0xF7A, s2;
	p2 =	seq.s32 @!p0 s5, $0x0  }
0x1f: {  	s9 =	smul.u32 $0xF7A, s1;
	s8 =	simm.s32 @!p0 $0x1BF5;
	p2 =	por !p2, p0  }
0x20: {  	[sflag:s8] =	ssyncset.s32 @!p0 $0xFFFFF086;
	s6 =	sadd.s32 @!p0 s3, s7;
	s7 =	simm.s32 @!p0 $0x108  }
0x21: {  	s3 =	sadd.s32 s3, s9;
	s6 =	sadd.s32 @!p0 $0x88, s6;
	s7 =	simm.s32 @p2 $0x1082  }
0x22: {  	[simem:s7], [sflag:s8] =	dma.local @!p0 [hbm:s6], $0xF7A  }
0x23: {  	s9 =	sor.u32 $0xD0000000, s2;
	s6 =	simm.s32 $0x108;
	_ =	swait.ge @!p0 [sflag:s8], $0x0  }
0x24: {  	s3 =	sadd.s32 $0x88, s3;
	s6 =	simm.s32 @!p1 $0x1082;
	[sflag:s4] =	ssyncset.s32 $0xFFFFF086  }
0x25: {  	[simem:s6], [sflag:s4] =	dma.local [hbm:s3], $0xF7A  }
0x26: {  	[smem:$0x3F9E] =	sst s1;
	(tag) =	ssettag s2;
	_ =	strace s9  }
0x27: {  	s1 =	sld [smem:$0x3FAE]  }
0x28: {  	s2 =	sld [smem:$0x3FAF]  }
0x29: {  	s4 =	sld [smem:$0x3FB1]  }
0x2a: {  	p0 =	seq.s32 s5, $0x0;
	s5 =	sld [smem:$0x3FB2]  }
0x2b: {  	s6 =	sld [smem:$0x3FB3]  }
0x2c: {  	s7 =	sld [smem:$0x3FB4]  }
0x2d: {  	s3 =	simm.s32 $0x108;
	s8 =	sld [smem:$0x3FB5]  }
0x2e: {  	s3 =	simm.s32 @!p0 $0x1082;
	s9 =	sld [smem:$0x3FB6]  }
0x2f: {  	lr =	sadd.s32 s0, s3;
	s0 =	sld [smem:$0x3FAD]  }
0x30: {  	s3 =	sld [smem:$0x3FB0]  }
0x31: {  	[smem:$0x3FB9] =	sst s10  }
0x32: {  	s10 =	sld [smem:$0x3FB7];
	_ =	sdelay $0x3  }
0x33: {  	p0 =	seq.s32 s10, $0x1;
	s10 =	sld [smem:$0x3FB9];
	_ =	sdelay $0x3  }
0x34: {  	[smem:$0x3FB9] =	sst s10  }
0x35: {  	s10 =	sld [smem:$0x3FB8];
	_ =	sdelay $0x3  }
0x36: {  	p1 =	seq.s32 s10, $0x1;
	s10 =	sld [smem:$0x3FB9];
	_ =	sdelay $0x3  }
0x37: {  	[smem:$0x3FB9] =	sst s10  }
0x38: {  	s10 =	sld [smem:$0x3FBA]  }
0x39: {  	_ = 	snop;
	(pc) =	sbr.ind lr, $3  }
0x3a: {  	_ = 	snop  }
0x3b: {  	_ = 	snop  }
0x3c: {  	p2 =	seq.s32 s10, $0x1;
	s10 =	sld [smem:$0x3FB9]  }
0x3d: {  	_ =	shalt  }
0x3e: {  	_ =	shalt  }
0x3f: {  	_ =	shalt  }
0x40: {  	_ =	shalt  }
0x41: {  	_ =	shalt  }
0x42: {  	_ =	shalt  }
0x43: {  	_ =	shalt  }
0x44: {  	_ =	shalt  }
0x45: {  	_ =	shalt  }
0x46: {  	_ =	shalt  }
0x47: {  	_ =	shalt  }
0x48: {  	_ =	shalt  }
0x49: {  	_ =	shalt  }
0x4a: {  	_ =	shalt  }
0x4b: {  	_ =	shalt  }
0x4c: {  	_ =	shalt  }
0x4d: {  	_ =	shalt  }
0x4e: {  	_ =	shalt  }
0x4f: {  	_ =	shalt  }
0x50: {  	_ =	shalt  }
0x51: {  	_ =	shalt  }
0x52: {  	_ =	shalt  }
0x53: {  	_ =	shalt  }
0x54: {  	_ =	shalt  }
0x55: {  	_ =	shalt  }
0x56: {  	_ =	shalt  }
0x57: {  	_ =	shalt  }
0x58: {  	_ =	shalt  }
0x59: {  	_ =	shalt  }
0x5a: {  	_ =	shalt  }
0x5b: {  	_ =	shalt  }
0x5c: {  	_ =	shalt  }
0x5d: {  	_ =	shalt  }
0x5e: {  	_ =	shalt  }
0x5f: {  	_ =	shalt  }
0x60: {  	_ =	shalt  }
0x61: {  	_ =	shalt  }
0x62: {  	_ =	shalt  }
0x63: {  	_ =	shalt  }
0x64: {  	_ =	shalt  }
0x65: {  	_ =	shalt  }
0x66: {  	_ =	shalt  }
0x67: {  	_ =	shalt  }
0x68: {  	_ =	shalt  }
0x69: {  	_ =	shalt  }
0x6a: {  	_ =	shalt  }
0x6b: {  	_ =	shalt  }
0x6c: {  	_ =	shalt  }
0x6d: {  	_ =	shalt  }
0x6e: {  	_ =	shalt  }
0x6f: {  	_ =	shalt  }
0x70: {  	_ =	shalt  }
0x71: {  	_ =	shalt  }
0x72: {  	_ =	shalt  }
0x73: {  	_ =	shalt  }
0x74: {  	_ =	shalt  }
0x75: {  	_ =	shalt  }
0x76: {  	_ =	shalt  }
0x77: {  	_ =	shalt  }
0x78: {  	_ =	shalt  }
0x79: {  	_ =	shalt  }
0x7a: {  	_ =	shalt  }
0x7b: {  	_ =	shalt  }
0x7c: {  	_ =	shalt  }
0x7d: {  	_ =	shalt  }
0x7e: {  	_ =	shalt  }
0x7f: {  	_ =	shalt  }
0x80: {  	_ =	shalt  }
0x81: {  	_ =	shalt  }
0x82: {  	_ =	shalt  }
0x83: {  	_ =	shalt  }
0x84: {  	_ =	shalt  }
0x85: {  	_ =	shalt  }
0x86: {  	_ =	shalt  }
0x87: {  	_ =	shalt  }
.Lfunc_end0:
.L_simem_size_0:
called_computation_lowered:
.L_overlay_start_0:
0x88: {  	s2 =	sld [smem:$0x3FD9]  }
0x89: {  	s3 =	sld [smem:$0x3FFE];
	_ =	sdelay $0x1  }
0x8a: {  	s1 =	srdreg.scid  }
0x8b: {  	s0 =	sand.u32 $0x1, s1  }
0x8c: {  	s17 =	sshll.u32 s0, $0xA;
	s2 =	sadd.s32 s3, s2  }
0x8d: {  	s2 =	sadd.s32 s2, s17  }
0x8e: {  	[smem:$0x3FC5] =	sst s2  }
0x8f: {  	_ = 	snop  }
0x90: {  	s2 =	sld [smem:$0x3FC9]  }
0x91: {  	s18 =	sld [smem:$0x3FC8]  }
0x92: {  	s4 =	sld [smem:$0x3FD0];
	(tm) =	ssettm $0x1  }
0x93: {  	s5 =	sld [smem:$0x3FFB];
	_ =	sdelay $0x3  }
0x94: {  	_ =	strace s5  }
0x95: {  	s5 =	sld [smem:$0x3FFC];
	_ =	sdelay $0x3  }
0x96: {  	_ =	strace s5  }
0x97: {  	s5 =	sld [smem:$0x3FFD];
	_ =	sdelay $0x3  }
0x98: {  	_ =	strace s5  }
0x99: {  	_ =	strace $0x8FFFFFFF  }
0x9a: {  	s19 =	sld [smem:$0x3FDB];
	_ =	sdelay $0x1  }
0x9b: {  	s6 =	simm.s32 $_scs_section_size  }
0x9c: {  	s7 =	simm.s32 $_size__tile_overlayer_lowered;
	s8 =	simm.s32 $_tile_overlayer_lowered  }
0x9d: {  	s22 =	simm.s32 $0x1BFF;
	s21 =	sshll.u32 s8, $0x1;
	s5 =	sadd.s32 s6, s19  }
0x9e: {  	s9 =	simm.s32 $0x0;
	s20 =	sshll.u32 s7, $0x1;
	s7 =	sadd.s32 s21, s5  }
0x9f: {  	[timem:s9], [sflag:s22] =	dma.local [hbm:s7], s20  }
0xa0: {  	_ =	swait.ge [sflag:s22], s20  }
0xa1: {  	s6 =	ssub.s32 $0x0, s20;
	[sflag:s22] =	ssyncset.done $0x0  }
0xa2: {  	[sflag:s22] =	ssyncadd.s32 s6;
	_ =	sdelay $0x1  }
0xa3: {  	s23 =	simm.s32 $0x1B8B  }
0xa4: {  	_ =	swait.ge [sflag:s23], $0x1  }
0xa5: {  	[sflag:s23] =	ssyncset.done $0x0  }
0xa6: {  	s25 =	simm.s32 $0x1B8E;
	s24 =	sld [smem:$0x3FFE];
	[sflag:s23] =	ssyncadd.s32 $0xFFFFFFFF  }
0xa7: {  	s26 =	simm.s32 $execute0_lowered;
	[smem:$0x3FD2] =	sst s25  }
0xa8: {  	s7 =	sshll.u32 s26, $0x1;
	_ =	strace $0x80000046;
	[dreg:$0x1] =	wrdreg $0xFFFFFFFF  }
0xa9: {  	s28 =	simm.s32 $_size_execute0_lowered;
	s5 =	sadd.s32 s5, s7;
	[dreg:$0x0] =	wrdreg $0x0  }
0xaa: {  	s7 =	sshll.u32 s28, $0x1;
	[dreg:$0x2] =	wrdreg s5  }
0xab: {  	[dreg:$0x3] =	wrdreg s7  }
0xac: {  	[dreg:$0x4] =	wrdreg $0xC0  }
0xad: {  	_ =	task [dreg:s9], $0x5FFFF  }
0xae: {  	[dreg:$0x1] =	wrdreg $0xFFFFFFFF  }
0xaf: {  	[dreg:$0x0] =	wrdreg $0x60  }
0xb0: {  	[dreg:$0x2] =	wrdreg s2  }
0xb1: {  	[dreg:$0x3] =	wrdreg s18  }
0xb2: {  	[dreg:$0x4] =	wrdreg s24  }
0xb3: {  	[dreg:$0x5] =	wrdreg s4  }
0xb4: {  	[dreg:$0x6] =	wrdreg $0x9  }
0xb5: {  	_ =	task.clear_ibuf [dreg:s9], $0x7FFFF;
	_ =	strace $0x90000046  }
0xb6: {  	s29 =	simm.s32 $0x9;
	_ =	strace $0x80000048  }
0xb7: {  	_ =	swait.ge [sflag:s29], $0x1  }
0xb8: {  	[sflag:s29] =	ssyncadd.s32 $0xFFFFFFFF  }
0xb9: {  	_ =	strace $0x90000048  }
0xba: {  	_ =	sfence  }
0xbb: {  	s30 =	sld [smem:$0x0];
	_ =	sdelay $0x2  }
0xbc: {  	s31 =	sshll.u32 s1, $0xD;
	s1 =	sshrl.u32 s1, $0x2  }
0xbd: {  	s3 =	sand.u32 $0x4000, s31;
	s1 =	sadd.s32 s1, s30  }
0xbe: {  	s0 =	sor.u32 s3, s0;
	s1 =	sshll.u32 s1, $0x11  }
0xbf: {  	s0 =	sor.u32 s1, s0  }
0xc0: {  	s0 =	sadd.s32 $0x8F2B, s0  }
0xc1: {  	[sflag:s0] =	ssyncadd.remote.s32 $0x1  }
0xc2: {  	_ =	sfence.sel $0xFFFF  }
0xc3: {  	[dreg:$0x0] =	wrdreg $0xFFFFFFFF;
	(pc) =	sbr.abs _section_cstart, $3  }
0xc4: {  	[dreg:$0x1] =	wrdreg $0xFFFFFFFF  }
0xc5: {  	_ =	task.clear_ibuf [dreg:s9], $0x2FFFF;
	_ =	strace $0x9FFFFFFF  }
0xc6: {  	(tm) =	ssettm $0x7FFFFFFF  }
0xc7: {  	_ =	shalt  }
tec
execute0_lowered:
.L_overlay_start_1:
0x0: {  	(tag) =	ssettag $0x1  }
0x1: {  	s0 =	rddreg [dreg:$0x0]  }
0x2: {  	s11 =	rddreg [dreg:$0x1]  }
0x3: {  	s1 =	rddreg [dreg:$0x2]  }
0x4: {  	s3 =	rddreg [dreg:$0x3]  }
0x5: {  	s4 =	srdreg.scid;
	s2 =	simm.s32 $0x0;
	s6 =	stileid.u32  }
0x6: {  	s4 =	sand.u32 $0x1, s4;
	[smem:$0x7FF] =	sst s2;
	s1 =	sadd.s32 $0x400, s1  }
0x7: {  	s14 =	sadd.s32 $0x100, s11;
	_ =	strace $0x80000047;
	[dreg:$0x5] =	wrdreg s1  }
0x8: {  	s15 =	sadd.s32 $0x200, s11;
	s16 =	sshll.u32 s6, $0x12;
	[dreg:$0x6] =	wrdreg s14  }
0x9: {  	s17 =	sadd.s32 $0x300, s11;
	s18 =	sadd.s32 $0x400, s11;
	[dreg:$0x7] =	wrdreg s15  }
0xa: {  	s5 =	ssub.s32 $0x2, s4;
	s4 =	sshll.u32 s4, $0x11;
	[dreg:$0x8] =	wrdreg s17  }
0xb: {  	[dreg:$0x9] =	wrdreg s18;
	s14 =	simm.s32 $0x5;
	s13 =	sshrl.u32 s5, $0x1  }
0xc: {  	s15 =	simm.s32 $0x6;
	s19 =	sor.u32 s4, s16;
	s1 =	ssub.s32 s5, s13  }
0xd: {  	s9 =	sadd.s32 s0, s19;
	s7 =	sor.u32 $0x800, s19;
	s8 =	sor.u32 $0x1000, s19  }
0xe: {  	s21 =	sor.u32 $0x1800, s19;
	s12 =	sadd.s32 s3, s19;
	s23 =	sor.u32 $0x1F000, s19  }
0xf: {  	s6 =	sor.u32 $0x1F800, s19;
	s5 =	simm.s32 $0xC080;
	s10 =	sadd.s32 s0, s7  }
0x10: {  	s20 =	sadd.s32 s0, s8;
	s13 =	sadd.s32 s0, s21;
	[dreg:$0xa] =	wrdreg s10  }
0x11: {  	s7 =	sadd.s32 s3, s7;
	s22 =	sadd.s32 s3, s8;
	[dreg:$0xb] =	wrdreg s20  }
0x12: {  	s24 =	sadd.s32 s3, s21;
	s25 =	sadd.s32 s0, s23;
	[dreg:$0xc] =	wrdreg s13  }
0x13: {  	s26 =	sadd.s32 s0, s6;
	s6 =	sadd.s32 s3, s6;
	[dreg:$0xd] =	wrdreg s7  }
0x14: {  	s0 =	sadd.s32 s16, s0;
	s21 =	sadd.s32 $0x500, s11;
	[dreg:$0xe] =	wrdreg s22  }
0x15: {  	s28 =	sadd.s32 $0x2000, s9;
	s29 =	sadd.s32 $0x2800, s9;
	[dreg:$0xf] =	wrdreg s24  }
0x16: {  	s30 =	sadd.s32 $0x1E000, s12;
	s31 =	sadd.s32 $0x1E800, s12;
	[dreg:$0x10] =	wrdreg s25  }
0x17: {  	s8 =	simm.s32 $0x14080;
	[dreg:$0x11] =	wrdreg s26;
	s7 =	sadd.s32 s3, s23  }
0x18: {  	[dreg:$0x13] =	wrdreg s6;
	s3 =	sadd.s32 s16, s3;
	s23 =	sadd.s32 s4, s0  }
0x19: {  	s24 =	sadd.s32 $0x600, s11;
	s25 =	smax.u32 s1, $0x1;
	s26 =	sadd.s32 $0x700, s11  }
0x1a: {  	s0 =	simm.s32 $0x7;
	s1 =	simm.s32 $0x4080;
	s6 =	simm.s32 $0x2  }
0x1b: {  	v0 =	vlaneseq.u32;
	s10 =	simm.s32 $0x18080;
	s11 =	simm.s32 $0x3;
	s13 =	simm.s32 $0x4  }
0x1c: {  	v1 =	vshrl.u32 v0, $0x3;
	s16 =	simm.s32 $0x0;
	[dreg:$0x12] =	wrdreg s7;
	s22 =	sadd.s32 s4, s3  }
0x1d: {  	vm0 =	vmmov $0xffff;
	v0 =	vand.u32 $0x7, v0;
	v1 =	vmul.u32 $0x8, v1;
	s3 =	simm.s32 $0x1;
	s4 =	simm.s32 $0x8080;
	s7 =	simm.s32 $0x10080  }
.LBB2_1:
0x1e: {  	s17 =	rddreg [dreg:$0x5]  }
0x1f: {  	[tilespmem:s2], [sflag:$0x7] =	stream.linear.gather [hbm4b:s17+s2], $0x80, $0x38;
	[tilespmem:$0x1C080] =	vst v63  }
0x20: {  	_ =	swait.ge [sflag:s0], $0x80  }
0x21: {  	[sflag:s0] =	ssyncset.done $0x0  }
0x22: {  	[sflag:s0] =	ssyncadd.s32 $0xFFFFFF80  }
0x23: {  	v2 =	vld.msk [tilespmem:$0x0], $0xff;
	_ =	sdelay $0x4  }
0x24: {  	v3 =	vshll.u32 v2, $0x4  }
0x25: {  	v2 =	vand.u32 $0x7, v2;
	v3 =	vand.u32 $0xFFFFFF80, v3  }
0x26: {  	v2 =	vor.u32 v2, v3  }
0x27: {  	v2 =	vperm.xlane v2, v0;
	_ =	sdelay $0x1  }
0x28: {  	v2 =	vadd.s32 v1, v2;
	_ =	sdelay $0x3  }
0x29: {  	s18 =	simm.s32 $0x80;
	s20 =	rddreg [dreg:$0x1]  }
0x2a: {  	[tilespmem:s18], [sflag:$0x1] =	stream.indirect_vreg.gather [hbm4b:s20+s2], $0x80, v2, vm0, $0xb8;
	[tilespmem:$0x1C080] =	vst v63  }
0x2b: {  	s19 =	rddreg [dreg:$0x6];
	s20 =	simm.s32 $0x880  }
0x2c: {  	[tilespmem:s20], [sflag:$0x1] =	stream.indirect_vreg.gather [hbm4b:s19+s2], $0x80, v2, vm0, $0xb8;
	[tilespmem:$0x1C080] =	vst v63  }
0x2d: {  	s19 =	rddreg [dreg:$0x7];
	s20 =	simm.s32 $0x1080  }
0x2e: {  	[tilespmem:s20], [sflag:$0x1] =	stream.indirect_vreg.gather [hbm4b:s19+s2], $0x80, v2, vm0, $0xb8;
	[tilespmem:$0x1C080] =	vst v63  }
0x2f: {  	s19 =	rddreg [dreg:$0x8];
	s20 =	simm.s32 $0x1880  }
0x30: {  	[tilespmem:s20], [sflag:$0x1] =	stream.indirect_vreg.gather [hbm4b:s19+s2], $0x80, v2, vm0, $0xb8;
	[tilespmem:$0x1C080] =	vst v63  }
0x31: {  	s18 =	rddreg [dreg:$0x9];
	s19 =	simm.s32 $0x2080  }
0x32: {  	[tilespmem:s19], [sflag:$0x1] =	stream.indirect_vreg.gather [hbm4b:s18+s2], $0x80, v2, vm0, $0xb8;
	[tilespmem:$0x1C080] =	vst v63  }
0x33: {  	s20 =	simm.s32 $0x2880  }
0x34: {  	[tilespmem:s20], [sflag:$0x1] =	stream.indirect_vreg.gather [hbm4b:s21+s2], $0x80, v2, vm0, $0xb8;
	[tilespmem:$0x1C080] =	vst v63  }
0x35: {  	s18 =	simm.s32 $0x3080  }
0x36: {  	[tilespmem:s18], [sflag:$0x1] =	stream.indirect_vreg.gather [hbm4b:s24+s2], $0x80, v2, vm0, $0xb8;
	[tilespmem:$0x1C080] =	vst v63  }
0x37: {  	s19 =	simm.s32 $0x3880  }
0x38: {  	[tilespmem:s19], [sflag:$0x1] =	stream.indirect_vreg.gather [hbm4b:s26+s2], $0x80, v2, vm0, $0xb8;
	[tilespmem:$0x1C080] =	vst v63  }
0x39: {  	_ =	swait.ge [sflag:s3], $0x4000  }
0x3a: {  	[sflag:s3] =	ssyncset.done $0x0  }
0x3b: {  	[sflag:s3] =	ssyncadd.s32 $0xFFFFC000  }
0x3c: {  	[tilespmem:s1], [sflag:$0x1] =	stream.linear.gather [hbm4b:s9+s2], $0x4000, $0x38;
	[tilespmem:$0x1C080] =	vst v63  }
0x3d: {  	s20 =	rddreg [dreg:$0xa]  }
0x3e: {  	[tilespmem:s4], [sflag:$0x2] =	stream.linear.gather [hbm4b:s20+s2], $0x4000, $0x38;
	[tilespmem:$0x1C080] =	vst v63  }
0x3f: {  	_ =	swait.ge [sflag:s3], $0x4000  }
0x40: {  	[sflag:s3] =	ssyncset.done $0x0  }
0x41: {  	s18 =	rddreg [dreg:$0xb];
	[sflag:s3] =	ssyncadd.s32 $0xFFFFC000  }
0x42: {  	[tilespmem:s1], [sflag:$0x1] =	stream.linear.gather [hbm4b:s18+s2], $0x4000, $0x38;
	[tilespmem:$0x1C080] =	vst v63  }
0x43: {  	_ = 	snop  }
0x44: {  	[hbm4b:s12+s2] =	stream.linear.scatter [tilespmem:s5], [sflag:$0x3], $0x4000, $0x38;
	[tilespmem:$0x1C080] =	vst v63  }
0x45: {  	_ =	swait.ge [sflag:s6], $0x4000  }
0x46: {  	[sflag:s6] =	ssyncset.done $0x0  }
0x47: {  	s19 =	rddreg [dreg:$0xc];
	[sflag:s6] =	ssyncadd.s32 $0xFFFFC000  }
0x48: {  	[tilespmem:s4], [sflag:$0x2] =	stream.linear.gather [hbm4b:s19+s2], $0x4000, $0x38;
	[tilespmem:$0x1C080] =	vst v63  }
0x49: {  	s20 =	rddreg [dreg:$0xd]  }
0x4a: {  	[hbm4b:s20+s2] =	stream.linear.scatter [tilespmem:s7], [sflag:$0x4], $0x4000, $0x38;
	[tilespmem:$0x1C080] =	vst v63  }
0x4b: {  	_ =	swait.ge [sflag:s3], $0x4000  }
0x4c: {  	[sflag:s3] =	ssyncset.done $0x0  }
0x4d: {  	[sflag:s3] =	ssyncadd.s32 $0xFFFFC000  }
0x4e: {  	[tilespmem:s1], [sflag:$0x1] =	stream.linear.gather [hbm4b:s28+s2], $0x4000, $0x38;
	[tilespmem:$0x1C080] =	vst v63  }
0x4f: {  	s18 =	rddreg [dreg:$0xe]  }
0x50: {  	[hbm4b:s18+s2] =	stream.linear.scatter [tilespmem:s8], [sflag:$0x5], $0x4000, $0x38;
	[tilespmem:$0x1C080] =	vst v63  }
0x51: {  	_ =	swait.ge [sflag:s6], $0x4000  }
0x52: {  	[sflag:s6] =	ssyncset.done $0x0  }
0x53: {  	[sflag:s6] =	ssyncadd.s32 $0xFFFFC000  }
0x54: {  	[tilespmem:s4], [sflag:$0x2] =	stream.linear.gather [hbm4b:s29+s2], $0x4000, $0x38;
	[tilespmem:$0x1C080] =	vst v63  }
0x55: {  	s19 =	rddreg [dreg:$0xf]  }
0x56: {  	[hbm4b:s19+s2] =	stream.linear.scatter [tilespmem:s10], [sflag:$0x6], $0x4000, $0x38;
	[tilespmem:$0x1C080] =	vst v63  }
0x57: {  	_ =	swait.ge [sflag:s3], $0x4000  }
0x58: {  	[sflag:s3] =	ssyncset.done $0x0  }
0x59: {  	[sflag:s3] =	ssyncadd.s32 $0xFFFFC000  }
0x5a: {  	_ =	swait.ge [sflag:s11], $0x4000  }
0x5b: {  	s17 =	sadd.s32 $0x0, s23;
	[sflag:s11] =	ssyncset.done $0x0  }
0x5c: {  	s20 =	sadd.s32 $0x3000, s17;
	s19 =	sadd.s32 $0x0, s22;
	[sflag:s11] =	ssyncadd.s32 $0xFFFFC000  }
0x5d: {  	[tilespmem:s1], [sflag:$0x1] =	stream.linear.gather [hbm4b:s20+s2], $0x4000, $0x38;
	[tilespmem:$0x1C080] =	vst v63  }
0x5e: {  	s20 =	sadd.s32 $0x2000, s19  }
0x5f: {  	[hbm4b:s20+s2] =	stream.linear.scatter [tilespmem:s5], [sflag:$0x3], $0x4000, $0x38;
	[tilespmem:$0x1C080] =	vst v63  }
0x60: {  	_ =	swait.ge [sflag:s6], $0x4000  }
0x61: {  	[sflag:s6] =	ssyncset.done $0x0  }
0x62: {  	[sflag:s6] =	ssyncadd.s32 $0xFFFFC000  }
0x63: {  	_ =	swait.ge [sflag:s13], $0x4000  }
0x64: {  	[sflag:s13] =	ssyncset.done $0x0  }
0x65: {  	s20 =	sadd.s32 $0x3800, s17;
	[sflag:s13] =	ssyncadd.s32 $0xFFFFC000  }
0x66: {  	[tilespmem:s4], [sflag:$0x2] =	stream.linear.gather [hbm4b:s20+s2], $0x4000, $0x38;
	[tilespmem:$0x1C080] =	vst v63  }
0x67: {  	s20 =	sadd.s32 $0x2800, s19  }
0x68: {  	[hbm4b:s20+s2] =	stream.linear.scatter [tilespmem:s7], [sflag:$0x4], $0x4000, $0x38;
	[tilespmem:$0x1C080] =	vst v63  }
0x69: {  	_ =	swait.ge [sflag:s3], $0x4000  }
0x6a: {  	[sflag:s3] =	ssyncset.done $0x0  }
0x6b: {  	[sflag:s3] =	ssyncadd.s32 $0xFFFFC000  }
0x6c: {  	_ =	swait.ge [sflag:s14], $0x4000  }
0x6d: {  	[sflag:s14] =	ssyncset.done $0x0  }
0x6e: {  	s20 =	sadd.s32 $0x4000, s17;
	[sflag:s14] =	ssyncadd.s32 $0xFFFFC000  }
0x6f: {  	[tilespmem:s1], [sflag:$0x1] =	stream.linear.gather [hbm4b:s20+s2], $0x4000, $0x38;
	[tilespmem:$0x1C080] =	vst v63  }
0x70: {  	s20 =	sadd.s32 $0x3000, s19  }
0x71: {  	[hbm4b:s20+s2] =	stream.linear.scatter [tilespmem:s8], [sflag:$0x5], $0x4000, $0x38;
	[tilespmem:$0x1C080] =	vst v63  }
0x72: {  	_ =	swait.ge [sflag:s6], $0x4000  }
0x73: {  	[sflag:s6] =	ssyncset.done $0x0  }
0x74: {  	[sflag:s6] =	ssyncadd.s32 $0xFFFFC000  }
0x75: {  	_ =	swait.ge [sflag:s15], $0x4000  }
0x76: {  	[sflag:s15] =	ssyncset.done $0x0  }
0x77: {  	s17 =	sadd.s32 $0x4800, s17;
	[sflag:s15] =	ssyncadd.s32 $0xFFFFC000  }
0x78: {  	[tilespmem:s4], [sflag:$0x2] =	stream.linear.gather [hbm4b:s17+s2], $0x4000, $0x38;
	[tilespmem:$0x1C080] =	vst v63  }
0x79: {  	s18 =	sadd.s32 $0x3800, s19;
	s17 =	simm.s32 $0x2000  }
.LBB2_2:
0x7a: {  	[hbm4b:s18+s2] =	stream.linear.scatter [tilespmem:s10], [sflag:$0x6], $0x4000, $0x38;
	[tilespmem:$0x1C080] =	vst v63  }
0x7b: {  	s18 =	smov.u32 s17  }
0x7c: {  	p0 =	sne.s32 s17, $0x1A000;
	s17 =	sadd.s32 $0x2000, s17;
	_ =	swait.ge [sflag:s3], $0x4000  }
0x7d: {  	[sflag:s3] =	ssyncset.done $0x0  }
0x7e: {  	[sflag:s3] =	ssyncadd.s32 $0xFFFFC000  }
0x7f: {  	_ =	swait.ge [sflag:s11], $0x4000  }
0x80: {  	s19 =	sadd.s32 s18, s23;
	[sflag:s11] =	ssyncset.done $0x0  }
0x81: {  	s18 =	sadd.s32 s18, s22;
	s20 =	sadd.s32 $0x3000, s19;
	[sflag:s11] =	ssyncadd.s32 $0xFFFFC000  }
0x82: {  	[tilespmem:s1], [sflag:$0x1] =	stream.linear.gather [hbm4b:s20+s2], $0x4000, $0x38;
	[tilespmem:$0x1C080] =	vst v63  }
0x83: {  	s20 =	sadd.s32 $0x2000, s18  }
0x84: {  	[hbm4b:s20+s2] =	stream.linear.scatter [tilespmem:s5], [sflag:$0x3], $0x4000, $0x38;
	[tilespmem:$0x1C080] =	vst v63  }
0x85: {  	_ =	swait.ge [sflag:s6], $0x4000  }
0x86: {  	[sflag:s6] =	ssyncset.done $0x0  }
0x87: {  	[sflag:s6] =	ssyncadd.s32 $0xFFFFC000  }
0x88: {  	_ =	swait.ge [sflag:s13], $0x4000  }
0x89: {  	[sflag:s13] =	ssyncset.done $0x0  }
0x8a: {  	s20 =	sadd.s32 $0x3800, s19;
	[sflag:s13] =	ssyncadd.s32 $0xFFFFC000  }
0x8b: {  	[tilespmem:s4], [sflag:$0x2] =	stream.linear.gather [hbm4b:s20+s2], $0x4000, $0x38;
	[tilespmem:$0x1C080] =	vst v63  }
0x8c: {  	s20 =	sadd.s32 $0x2800, s18  }
0x8d: {  	[hbm4b:s20+s2] =	stream.linear.scatter [tilespmem:s7], [sflag:$0x4], $0x4000, $0x38;
	[tilespmem:$0x1C080] =	vst v63  }
0x8e: {  	_ =	swait.ge [sflag:s3], $0x4000  }
0x8f: {  	[sflag:s3] =	ssyncset.done $0x0  }
0x90: {  	[sflag:s3] =	ssyncadd.s32 $0xFFFFC000  }
0x91: {  	_ =	swait.ge [sflag:s14], $0x4000  }
0x92: {  	[sflag:s14] =	ssyncset.done $0x0  }
0x93: {  	s20 =	sadd.s32 $0x4000, s19;
	[sflag:s14] =	ssyncadd.s32 $0xFFFFC000  }
0x94: {  	[tilespmem:s1], [sflag:$0x1] =	stream.linear.gather [hbm4b:s20+s2], $0x4000, $0x38;
	[tilespmem:$0x1C080] =	vst v63  }
0x95: {  	s20 =	sadd.s32 $0x3000, s18  }
0x96: {  	[hbm4b:s20+s2] =	stream.linear.scatter [tilespmem:s8], [sflag:$0x5], $0x4000, $0x38;
	[tilespmem:$0x1C080] =	vst v63  }
0x97: {  	_ =	swait.ge [sflag:s6], $0x4000  }
0x98: {  	[sflag:s6] =	ssyncset.done $0x0  }
0x99: {  	[sflag:s6] =	ssyncadd.s32 $0xFFFFC000  }
.Ltmp0:
0x9a: {  	_ =	swait.ge [sflag:s15], $0x4000;
	(pc) =	sbr.rel @p0 .LBB2_2-.Ltmp0, $4  }
0x9b: {  	[sflag:s15] =	ssyncset.done $0x0  }
0x9c: {  	s19 =	sadd.s32 $0x4800, s19;
	[sflag:s15] =	ssyncadd.s32 $0xFFFFC000  }
0x9d: {  	[tilespmem:s4], [sflag:$0x2] =	stream.linear.gather [hbm4b:s19+s2], $0x4000, $0x38;
	[tilespmem:$0x1C080] =	vst v63  }
0x9e: {  	s18 =	sadd.s32 $0x3800, s18  }
0x9f: {  	[hbm4b:s18+s2] =	stream.linear.scatter [tilespmem:s10], [sflag:$0x6], $0x4000, $0x38;
	[tilespmem:$0x1C080] =	vst v63  }
0xa0: {  	_ =	swait.ge [sflag:s3], $0x4000  }
0xa1: {  	[sflag:s3] =	ssyncset.done $0x0  }
0xa2: {  	[sflag:s3] =	ssyncadd.s32 $0xFFFFC000  }
0xa3: {  	_ =	swait.ge [sflag:s11], $0x4000  }
0xa4: {  	[sflag:s11] =	ssyncset.done $0x0  }
0xa5: {  	s17 =	rddreg [dreg:$0x10];
	[sflag:s11] =	ssyncadd.s32 $0xFFFFC000  }
0xa6: {  	[tilespmem:s1], [sflag:$0x1] =	stream.linear.gather [hbm4b:s17+s2], $0x4000, $0x38;
	[tilespmem:$0x1C080] =	vst v63  }
0xa7: {  	_ = 	snop  }
0xa8: {  	[hbm4b:s30+s2] =	stream.linear.scatter [tilespmem:s5], [sflag:$0x3], $0x4000, $0x38;
	[tilespmem:$0x1C080] =	vst v63  }
0xa9: {  	_ =	swait.ge [sflag:s6], $0x4000  }
0xaa: {  	[sflag:s6] =	ssyncset.done $0x0  }
0xab: {  	[sflag:s6] =	ssyncadd.s32 $0xFFFFC000  }
0xac: {  	_ =	swait.ge [sflag:s13], $0x4000  }
0xad: {  	[sflag:s13] =	ssyncset.done $0x0  }
0xae: {  	s18 =	rddreg [dreg:$0x11];
	[sflag:s13] =	ssyncadd.s32 $0xFFFFC000  }
0xaf: {  	[tilespmem:s4], [sflag:$0x2] =	stream.linear.gather [hbm4b:s18+s2], $0x4000, $0x38;
	[tilespmem:$0x1C080] =	vst v63  }
0xb0: {  	_ = 	snop  }
0xb1: {  	[hbm4b:s31+s2] =	stream.linear.scatter [tilespmem:s7], [sflag:$0x4], $0x4000, $0x38;
	[tilespmem:$0x1C080] =	vst v63  }
0xb2: {  	_ =	swait.ge [sflag:s3], $0x4000  }
0xb3: {  	[sflag:s3] =	ssyncset.done $0x0  }
0xb4: {  	[sflag:s3] =	ssyncadd.s32 $0xFFFFC000  }
0xb5: {  	_ =	swait.ge [sflag:s14], $0x4000  }
0xb6: {  	[sflag:s14] =	ssyncset.done $0x0  }
0xb7: {  	s19 =	rddreg [dreg:$0x12];
	[sflag:s14] =	ssyncadd.s32 $0xFFFFC000  }
0xb8: {  	[hbm4b:s19+s2] =	stream.linear.scatter [tilespmem:s8], [sflag:$0x5], $0x4000, $0x38;
	[tilespmem:$0x1C080] =	vst v63  }
0xb9: {  	_ =	swait.ge [sflag:s6], $0x4000  }
0xba: {  	[sflag:s6] =	ssyncset.done $0x0  }
0xbb: {  	[sflag:s6] =	ssyncadd.s32 $0xFFFFC000  }
0xbc: {  	_ =	swait.ge [sflag:s15], $0x4000  }
0xbd: {  	[sflag:s15] =	ssyncset.done $0x0  }
0xbe: {  	s20 =	rddreg [dreg:$0x13];
	[sflag:s15] =	ssyncadd.s32 $0xFFFFC000  }
0xbf: {  	[hbm4b:s20+s2] =	stream.linear.scatter [tilespmem:s10], [sflag:$0x6], $0x4000, $0x38;
	[tilespmem:$0x1C080] =	vst v63  }
0xc0: {  	_ =	swait.ge [sflag:s11], $0x4000  }
0xc1: {  	[sflag:s11] =	ssyncset.done $0x0  }
0xc2: {  	[sflag:s11] =	ssyncadd.s32 $0xFFFFC000  }
0xc3: {  	_ =	swait.ge [sflag:s13], $0x4000  }
0xc4: {  	[sflag:s13] =	ssyncset.done $0x0  }
0xc5: {  	s16 =	sadd.s32 $0x1, s16;
	[sflag:s13] =	ssyncadd.s32 $0xFFFFC000  }
0xc6: {  	p0 =	sne.s32 s16, s25;
	_ =	swait.ge [sflag:s14], $0x4000  }
.Ltmp1:
0xc7: {  	[sflag:s14] =	ssyncset.done $0x0;
	(pc) =	sbr.rel @p0 .LBB2_1-.Ltmp1, $4  }
0xc8: {  	[sflag:s14] =	ssyncadd.s32 $0xFFFFC000  }
0xc9: {  	_ =	swait.ge [sflag:s15], $0x4000  }
0xca: {  	[sflag:s15] =	ssyncset.done $0x0  }
0xcb: {  	[sflag:s15] =	ssyncadd.s32 $0xFFFFC000  }
0xcc: {  	_ =	sfence.sel $0x180000  }
0xcd: {  	[bflag:$0x0] =	sbarrier.arrive $0xFFFF  }
0xce: {  	_ =	strace $0x90000047  }
0xcf: {  	s0 =	stileid.u32;
	[bflag:$0x2] =	sbarrier.arrive $0xFFFF  }
0xd0: {  	p0 =	sne.s32 s0, $0x0;
	s0 =	rddreg [dreg:$0x4]  }
0xd1: {  	s0 =	sadd.s32 @!p0 $0x100000, s0  }
0xd2: {  	[sflag:s0] =	ssyncadd.tile.s32 @!p0 $0x1;
	_ =	shalt  }
.Lfunc_end2:
_tile_overlayer_lowered:
.L_overlay_start_2:
0xd3: {  	(tag) =	ssettag $0x2  }
0xd4: {  	s0 =	rddreg [dreg:$0x0];
	s2 =	stileid.u32  }
0xd5: {  	s1 =	rddreg [dreg:$0x1];
	p0 =	sne.s32 s2, $0x0  }
0xd6: {  	s3 =	rddreg [dreg:$0x2];
	[bflag:$0x3] =	sbarrier.arrive $0xFFFF;
	s2 =	simm.s32 @!p0 $0x1C07  }
0xd7: {  	[timem:s3], [sflag:s2] =	dma.local @!p0 [hbm:s0], s1  }
0xd8: {  	s0 =	simm.s32 @!p0 $0x7  }
0xd9: {  	_ =	swait.ge @!p0 [sflag:s0], s1  }
0xda: {  	s1 =	ssub.s32 @!p0 $0x0, s1;
	[sflag:s0] =	ssyncset.done @!p0 $0x0  }
0xdb: {  	[sflag:s0] =	ssyncadd.s32 @!p0 s1  }
0xdc: {  	[bflag:$0x3] =	sbarrier.arrive $0xFFFF  }
0xdd: {  	_ =	shalt  }

</sc_bundles>
